<compile_context>
chip_gen: v7x
topology: tpu7x:2x2x1
jax: 0.10.2.dev20260603
libtpu: 0.0.44.dev20260713+nightly
codegen_flags: <defaults>
</compile_context>

<pallas_src>
import functools

import jax
import jax.numpy as jnp
from jax import lax
from jax.experimental import pallas as pl
from jax.experimental.pallas import tpu as pltpu
from jax.experimental.pallas import tpu_sc as plsc

N_EMB = 8192
DIM = 32
N_ROWS = 4096
BM = 256
GRID = N_ROWS // BM

NC = 2
NS = 16
NW = NC * NS
BPW = N_ROWS // NW
HPW = N_EMB // NS



def _argmin_body(z_ref, w_ref, idx_ref, znat_ref):
    zb = z_ref[0].reshape(DIM, BM)
    znat_ref[...] = zb.reshape(1, DIM, BM)
    w = w_ref[...]
    zz = jnp.sum(zb * zb, axis=0, keepdims=True)
    wsq = jnp.sum(w * w, axis=1, keepdims=True)
    m2 = jax.lax.dot_general(w + w, zb, (((1,), (0,)), ((), ())),
                             preferred_element_type=jnp.float32)
    def _split(x):
        n = x.shape[0]
        x3 = x.reshape(n // 16, 16, BM)
        return (x3[:, :8, :].reshape(n // 2, BM),
                x3[:, 8:, :].reshape(n // 2, BM))

    d = (zz - m2) + wsq
    a, b = _split(d)
    i = jnp.where(b < a, jnp.int32(8), jnp.int32(0))
    v = jnp.minimum(a, b)
    step = 16
    while v.shape[0] > 8:
        a, b = _split(v)
        ia, ib = _split(i)
        i = jnp.where(b < a, ib + jnp.int32(step), ia)
        v = jnp.minimum(a, b)
        step *= 2
    vmin = jnp.min(v, axis=0, keepdims=True)
    rows = lax.broadcasted_iota(jnp.int32, (8, BM), 0)
    idx = jnp.min(jnp.where(v == vmin, i + rows, jnp.int32(2**30)), axis=0)
    idx_ref[...] = idx.reshape(1, 1, BM)


def _argmin_call(z_e, w):
    blocks_per_batch = 1024 // BM
    rows_per_block = BM // 32
    return pl.pallas_call(
        _argmin_body,
        grid=(GRID,),
        in_specs=[
            pl.BlockSpec((1, DIM, rows_per_block, 32),
                         lambda i: (i // blocks_per_batch, 0,
                                    i % blocks_per_batch, 0)),
            pl.BlockSpec((N_EMB, DIM), lambda i: (0, 0)),
        ],
        out_specs=[
            pl.BlockSpec((1, 1, BM), lambda i: (i, 0, 0)),
            pl.BlockSpec((1, DIM, BM),
                         lambda i: (i // blocks_per_batch, 0,
                                    i % blocks_per_batch)),
        ],
        out_shape=[
            jax.ShapeDtypeStruct((GRID, 1, BM), jnp.int32),
            jax.ShapeDtypeStruct((4, DIM, 1024), jnp.float32),
        ],
    )(z_e, w)



def _sc_body(w_hbm, idx_hbm, z_hbm, qst_hbm, counts_hbm, lp_hbm,
             idx_v, rows_v, ztile_v, stt_v, ones_v, zeros_v, acc_v,
             hist_sh, loss_sh, sem):
    c = lax.axis_index("c")
    s = lax.axis_index("s")
    wid = s * NC + c
    base = wid * BPW
    bb = base // 1024
    hw0 = base % 1024

    pltpu.sync_copy(idx_hbm.at[pl.ds(base, BPW)], idx_v)
    pltpu.async_copy(w_hbm.at[idx_v], rows_v, sem).wait()
    pltpu.sync_copy(z_hbm.at[bb, :, pl.ds(hw0, BPW)], ztile_v)

    lane = lax.iota(jnp.int32, 16)

    def _st_step(k, acc):
        ch = k >> 3
        g = k & 7
        qv = plsc.load_gather(rows_v, [g * 16 + lane,
                                       jnp.full((16,), ch, jnp.int32)])
        zv = ztile_v[ch, pl.ds(g * 16, 16)]
        stt_v[ch, pl.ds(g * 16, 16)] = zv + (qv - zv)
        dv = zv - qv
        return acc + dv * dv

    acc = lax.fori_loop(0, (BPW * DIM) // 16, _st_step,
                        jnp.zeros((16,), jnp.float32))
    acc_v[...] = acc
    pltpu.sync_copy(stt_v, qst_hbm.at[bb, :, pl.ds(hw0, BPW)])
    pltpu.sync_copy(acc_v, loss_sh.at[s])

    def _fill_zeros(i, _):
        zeros_v[pl.ds(i * 16, 16)] = jnp.zeros((16,), jnp.float32)
        return _
    lax.fori_loop(0, HPW // 16, _fill_zeros, None)

    def _fill_ones(i, _):
        ones_v[pl.ds(i * 16, 16)] = jnp.full((16,), 1.0, jnp.float32)
        return _
    lax.fori_loop(0, BPW // 16, _fill_ones, None)
    pltpu.sync_copy(zeros_v, hist_sh.at[pl.ds(s * HPW, HPW)])
    plsc.subcore_barrier()
    pltpu.sync_copy(ones_v, hist_sh.at[idx_v], add=True)
    plsc.subcore_barrier()

    @pl.when(s == 0)
    def _():
        pltpu.sync_copy(hist_sh, counts_hbm.at[c])
        pltpu.sync_copy(loss_sh, lp_hbm.at[c])


def _sc_call(W, idx, z_nat):
    mesh = plsc.VectorSubcoreMesh(core_axis_name="c", subcore_axis_name="s")
    f = pl.kernel(
        _sc_body,
        out_type=[
            jax.ShapeDtypeStruct((4, DIM, 1024), jnp.float32),
            jax.ShapeDtypeStruct((NC, N_EMB), jnp.float32),
            jax.ShapeDtypeStruct((NC, NS, 16), jnp.float32),
        ],
        mesh=mesh,
        scratch_types=[
            pltpu.VMEM((BPW,), jnp.int32),
            pltpu.VMEM((BPW, DIM), jnp.float32),
            pltpu.VMEM((DIM, BPW), jnp.float32),
            pltpu.VMEM((DIM, BPW), jnp.float32),
            pltpu.VMEM((BPW,), jnp.float32),
            pltpu.VMEM((HPW,), jnp.float32),
            pltpu.VMEM((16,), jnp.float32),
            pltpu.VMEM_SHARED((N_EMB,), jnp.float32),
            pltpu.VMEM_SHARED((NS, 16), jnp.float32),
            pltpu.SemaphoreType.DMA,
        ],
        compiler_params=pltpu.CompilerParams(use_tc_tiling_on_sc=False, needs_layout_passes=False),
    )
    return f(W, idx, z_nat)



def _fin_body(c_ref, lp_ref, loss_ref, perp_ref):
    msq = jnp.sum(lp_ref[...]) * (1.0 / (N_ROWS * DIM))
    loss_ref[...] = (0.25 * msq + msq).reshape(1, 1)
    cc = c_ref[0:1, :] + c_ref[1:2, :]
    p = cc * (1.0 / N_ROWS)
    ent = p * jnp.log(p + 1e-10)
    perp_ref[...] = jnp.exp(-jnp.sum(ent)).reshape(1, 1)


def _fin_call(counts2, lp):
    return pl.pallas_call(
        _fin_body,
        out_shape=[
            jax.ShapeDtypeStruct((1, 1), jnp.float32),
            jax.ShapeDtypeStruct((1, 1), jnp.float32),
        ],
    )(counts2, lp)



def kernel(z_e, W):
    b, c, h, w = z_e.shape
    idx3, z_nat = _argmin_call(z_e, W)
    encoding_indices = idx3.reshape(-1)
    qst_nat, counts2, lp = _sc_call(W, encoding_indices, z_nat)
    vq_loss, perplexity = _fin_call(counts2, lp.reshape(NC * NS, 16))
    z_q_st = qst_nat.reshape(b, c, h, w)
    indices = encoding_indices.reshape(b, h, w)
    return (z_q_st, vq_loss[0, 0], perplexity[0, 0], indices)

# --- scband reference (transcript-rebuilt; emitter-appended) ---
"""Pipeline reference for scband-vector-quantizer-19456201850957 (READ-ONLY COPY).

The authoritative reference and input builder live on the scoring server;
editing this copy changes nothing except your own understanding.
"""

import jax, jax.numpy as jnp
import numpy as np

NUM_EMBEDDINGS = 8192
EMBEDDING_DIM = 32
COMMITMENT_COST = 0.25


def setup_inputs(seed: int = 0) -> dict:
    key = jax.random.key(seed)
    k1, k2 = jax.random.split(key)
    z_e = jax.random.normal(k1, (4, EMBEDDING_DIM, 32, 32), dtype=jnp.float32)
    W = jax.random.uniform(k2, (NUM_EMBEDDINGS, EMBEDDING_DIM), dtype=jnp.float32,
                           minval=-1.0 / NUM_EMBEDDINGS, maxval=1.0 / NUM_EMBEDDINGS)
    return {"z_e": z_e, "W": W}


def reference(z_e, W):
    b, c, h, w = z_e.shape
    z_flat = jnp.transpose(z_e, (0, 2, 3, 1)).reshape(-1, c)
    distances = (jnp.sum(z_flat ** 2, axis=1, keepdims=True)
                 - 2.0 * (z_flat @ W.T)
                 + jnp.sum(W ** 2, axis=1))
    encoding_indices = jnp.argmin(distances, axis=1)
    z_q = jnp.take(W, encoding_indices, axis=0).reshape(b, h, w, c)
    z_q = jnp.transpose(z_q, (0, 3, 1, 2))
    commitment = COMMITMENT_COST * jnp.mean((jax.lax.stop_gradient(z_e) - z_q) ** 2)
    codebook = jnp.mean((z_e - jax.lax.stop_gradient(z_q)) ** 2)
    vq_loss = commitment + codebook
    z_q_st = z_e + jax.lax.stop_gradient(z_q - z_e)
    one_hot = jax.nn.one_hot(encoding_indices, NUM_EMBEDDINGS, dtype=jnp.float32)
    avg_probs = jnp.mean(one_hot, axis=0)
    perplexity = jnp.exp(-jnp.sum(avg_probs * jnp.log(avg_probs + 1e-10)))
    indices = encoding_indices.reshape(b, h, w)
    return (z_q_st, vq_loss, perplexity, indices)

if __name__ == "__main__":
    import jax
    _d = setup_inputs()
    print(jax.jit(kernel)(*tuple(_d.values())))

</pallas_src>

<mosaic_0001>
#map = affine_map<(d0, d1) -> (0, 0)>
#map1 = affine_map<(d0, d1) -> (0)>
#map2 = affine_map<(d0, d1) -> (0, 0, 0)>
module attributes {stable_mosaic.version = 14 : i64} {
  func.func @_sc_body(%arg0: i32, %arg1: i32, %arg2: memref<8192x32xf32, #tpu.memory_space<hbm>>, %arg3: memref<4096xi32, #tpu.memory_space<hbm>>, %arg4: memref<4x32x1024xf32, #tpu.memory_space<hbm>>, %arg5: memref<4x32x1024xf32, #tpu.memory_space<hbm>>, %arg6: memref<2x8192xf32, #tpu.memory_space<hbm>>, %arg7: memref<2x16x16xf32, #tpu.memory_space<hbm>>, %arg8: memref<128xi32, #tpu.memory_space<vmem>>, %arg9: memref<128x32xf32, #tpu.memory_space<vmem>>, %arg10: memref<32x128xf32, #tpu.memory_space<vmem>>, %arg11: memref<32x128xf32, #tpu.memory_space<vmem>>, %arg12: memref<128xf32, #tpu.memory_space<vmem>>, %arg13: memref<512xf32, #tpu.memory_space<vmem>>, %arg14: memref<16xf32, #tpu.memory_space<vmem>>, %arg15: memref<8192xf32, #tpu.memory_space<vmem_shared>>, %arg16: memref<16x16xf32, #tpu.memory_space<vmem_shared>>, %arg17: memref<!tpu.dma_semaphore, #tpu.memory_space<semaphore_mem>>) attributes {dimension_semantics = [#tpu.dimension_semantics<core_parallel>, #tpu.dimension_semantics<subcore_parallel>], iteration_bounds = array<i64: 2, 16>, scalar_prefetch = 0 : i64, scratch_operands = 10 : i64, tpu.core_type = #tpu.core_type<sc_vector_subcore>, window_params = [{transform_indices = #map}, {transform_indices = #map1}, {transform_indices = #map2}, {transform_indices = #map2}, {transform_indices = #map}, {transform_indices = #map2}]} {
    %mul3A = arith.constant 2 : i32
    %mul3A_0 = arith.muli %arg1, %mul3A : i32
    %add3A = arith.addi %mul3A_0, %arg0 : i32
    %mul3A_1 = arith.constant 128 : i32
    %mul3A_2 = arith.muli %add3A, %mul3A_1 : i32
    %jit3A = arith.constant 1024 : i32
    %div3A = arith.divsi %mul3A_2, %jit3A : i32
    %sign3A = arith.constant 0 : i32
    %sign3A_3 = arith.cmpi sgt, %mul3A_2, %sign3A : i32
    %sign3A_4 = arith.extui %sign3A_3 : i1 to i32
    %sign3A_5 = arith.constant 0 : i32
    %sign3A_6 = arith.cmpi slt, %mul3A_2, %sign3A_5 : i32
    %sign3A_7 = arith.extui %sign3A_6 : i1 to i32
    %sign3A_8 = arith.subi %sign3A_4, %sign3A_7 : i32
    %sign3A_9 = arith.constant 0 : i32
    %sign3A_10 = arith.cmpi sgt, %jit3A, %sign3A_9 : i32
    %sign3A_11 = arith.extui %sign3A_10 : i1 to i32
    %sign3A_12 = arith.constant 0 : i32
    %sign3A_13 = arith.cmpi slt, %jit3A, %sign3A_12 : i32
    %sign3A_14 = arith.extui %sign3A_13 : i1 to i32
    %sign3A_15 = arith.subi %sign3A_11, %sign3A_14 : i32
    %ne3A = arith.cmpi ne, %sign3A_8, %sign3A_15 : i32
    %rem3A = arith.remsi %mul3A_2, %jit3A : i32
    %ne3A_16 = arith.constant 0 : i32
    %ne3A_17 = arith.cmpi ne, %rem3A, %ne3A_16 : i32
    %and3A = arith.andi %ne3A, %ne3A_17 : i1
    %sub3A = arith.constant 1 : i32
    %sub3A_18 = arith.subi %div3A, %sub3A : i32
    %select_n3A = arith.select %and3A, %sub3A_18, %div3A : i32
    %jit3A_19 = arith.constant 1024 : i32
    %eq3A = arith.constant 0 : i32
    %eq3A_20 = arith.cmpi eq, %jit3A_19, %eq3A : i32
    %jit3A_21 = arith.constant 1 : i32
    %select_n3A_22 = arith.select %eq3A_20, %jit3A_21, %jit3A_19 : i32
    %rem3A_23 = arith.remsi %mul3A_2, %select_n3A_22 : i32
    %ne3A_24 = arith.constant 0 : i32
    %ne3A_25 = arith.cmpi ne, %rem3A_23, %ne3A_24 : i32
    %lt3A = arith.constant 0 : i32
    %lt3A_26 = arith.cmpi slt, %rem3A_23, %lt3A : i32
    %lt3A_27 = arith.constant 0 : i32
    %lt3A_28 = arith.cmpi slt, %select_n3A_22, %lt3A_27 : i32
    %ne3A_29 = arith.xori %lt3A_26, %lt3A_28 : i1
    %and3A_30 = arith.andi %ne3A_29, %ne3A_25 : i1
    %add3A_31 = arith.addi %rem3A_23, %select_n3A_22 : i32
    %select_n3A_32 = arith.select %and3A_30, %add3A_31, %rem3A_23 : i32
    "tpu.region"() ({
      %run_scoped3A = tpu.sem_alloc : memref<!tpu.dma_semaphore, #tpu.memory_space<semaphore_mem>>
      %dma_start3A_60 = tpu.memref_slice %arg3[%mul3A_2] : memref<4096xi32, #tpu.memory_space<hbm>> -> memref<128xi32, #tpu.memory_space<hbm>>
      %dma_start3A_61 = tpu.memref_slice %arg3[%mul3A_2] : memref<4096xi32, #tpu.memory_space<hbm>> -> memref<128xi32, #tpu.memory_space<hbm>>
      tpu.enqueue_dma source(%dma_start3A_61 : memref<128xi32, #tpu.memory_space<hbm>>) target(%arg8 : memref<128xi32, #tpu.memory_space<vmem>>) target_semaphore(%run_scoped3A : memref<!tpu.dma_semaphore, #tpu.memory_space<semaphore_mem>>)
      %dma_wait3A_62 = tpu.memref_slice %arg3[%mul3A_2] : memref<4096xi32, #tpu.memory_space<hbm>> -> memref<128xi32, #tpu.memory_space<hbm>>
      %dma_wait3A_63 = tpu.memref_slice %arg3[%mul3A_2] : memref<4096xi32, #tpu.memory_space<hbm>> -> memref<128xi32, #tpu.memory_space<hbm>>
      tpu.wait_dma2 semaphore(%run_scoped3A : memref<!tpu.dma_semaphore, #tpu.memory_space<semaphore_mem>>) src(%dma_wait3A_63 : memref<128xi32, #tpu.memory_space<hbm>>) dst(%arg8 : memref<128xi32, #tpu.memory_space<vmem>>)
      tpu.yield
    }) : () -> ()
    %dma_start3A = arith.constant 0 : i32
    %dma_start3A_33 = arith.constant 0 : i32
    %dma_start3A_34 = tpu.memref_slice %arg2[%dma_start3A, %dma_start3A_33] : memref<8192x32xf32, #tpu.memory_space<hbm>> -> memref<8192x32xf32, #tpu.memory_space<hbm>>
    tpu.enqueue_indirect_dma source(%dma_start3A_34 : memref<8192x32xf32, #tpu.memory_space<hbm>>) target(%arg9 : memref<128x32xf32, #tpu.memory_space<vmem>>) offsets(%arg8 : memref<128xi32, #tpu.memory_space<vmem>>) semaphore(%arg17 : memref<!tpu.dma_semaphore, #tpu.memory_space<semaphore_mem>>)
    %dma_wait3A = arith.constant 0 : i32
    %dma_wait3A_35 = arith.constant 0 : i32
    %dma_wait3A_36 = tpu.memref_slice %arg2[%dma_wait3A, %dma_wait3A_35] : memref<8192x32xf32, #tpu.memory_space<hbm>> -> memref<8192x32xf32, #tpu.memory_space<hbm>>
    tpu.wait_indirect_dma semaphore(%arg17 : memref<!tpu.dma_semaphore, #tpu.memory_space<semaphore_mem>>) src(%dma_wait3A_36 : memref<8192x32xf32, #tpu.memory_space<hbm>>) dst(%arg9 : memref<128x32xf32, #tpu.memory_space<vmem>>)
    "tpu.region"() ({
      %run_scoped3A = tpu.sem_alloc : memref<!tpu.dma_semaphore, #tpu.memory_space<semaphore_mem>>
      %dma_start3A_60 = arith.constant 0 : i32
      %dma_start3A_61 = tpu.memref_slice %arg4[%select_n3A, %dma_start3A_60, %select_n3A_32] : memref<4x32x1024xf32, #tpu.memory_space<hbm>> -> memref<1x32x128xf32, #tpu.memory_space<hbm>>
      %dma_start3A_62 = tpu.memref_squeeze %dma_start3A_61 : memref<1x32x128xf32, #tpu.memory_space<hbm>> -> memref<32x128xf32, #tpu.memory_space<hbm>>
      %dma_start3A_63 = arith.constant 0 : i32
      %dma_start3A_64 = tpu.memref_slice %arg4[%select_n3A, %dma_start3A_63, %select_n3A_32] : memref<4x32x1024xf32, #tpu.memory_space<hbm>> -> memref<1x32x128xf32, #tpu.memory_space<hbm>>
      %dma_start3A_65 = tpu.memref_squeeze %dma_start3A_64 : memref<1x32x128xf32, #tpu.memory_space<hbm>> -> memref<32x128xf32, #tpu.memory_space<hbm>>
      tpu.enqueue_dma source(%dma_start3A_65 : memref<32x128xf32, #tpu.memory_space<hbm>>) target(%arg10 : memref<32x128xf32, #tpu.memory_space<vmem>>) target_semaphore(%run_scoped3A : memref<!tpu.dma_semaphore, #tpu.memory_space<semaphore_mem>>)
      %dma_wait3A_66 = arith.constant 0 : i32
      %dma_wait3A_67 = tpu.memref_slice %arg4[%select_n3A, %dma_wait3A_66, %select_n3A_32] : memref<4x32x1024xf32, #tpu.memory_space<hbm>> -> memref<1x32x128xf32, #tpu.memory_space<hbm>>
      %dma_wait3A_68 = tpu.memref_squeeze %dma_wait3A_67 : memref<1x32x128xf32, #tpu.memory_space<hbm>> -> memref<32x128xf32, #tpu.memory_space<hbm>>
      %dma_wait3A_69 = arith.constant 0 : i32
      %dma_wait3A_70 = tpu.memref_slice %arg4[%select_n3A, %dma_wait3A_69, %select_n3A_32] : memref<4x32x1024xf32, #tpu.memory_space<hbm>> -> memref<1x32x128xf32, #tpu.memory_space<hbm>>
      %dma_wait3A_71 = tpu.memref_squeeze %dma_wait3A_70 : memref<1x32x128xf32, #tpu.memory_space<hbm>> -> memref<32x128xf32, #tpu.memory_space<hbm>>
      tpu.wait_dma2 semaphore(%run_scoped3A : memref<!tpu.dma_semaphore, #tpu.memory_space<semaphore_mem>>) src(%dma_wait3A_71 : memref<32x128xf32, #tpu.memory_space<hbm>>) dst(%arg10 : memref<32x128xf32, #tpu.memory_space<vmem>>)
      tpu.yield
    }) : () -> ()
    %iota3A = tpu.iota {dimensions = array<i32: 0>} : vector<16xi32>
    %broadcast_in_dim3A = arith.constant 0.000000e+00 : f32
    %broadcast_in_dim3A_37 = vector.broadcast %broadcast_in_dim3A : f32 to vector<16xf32>
    %scan3A = arith.constant 0 : i32
    %scan3A_38 = arith.constant 256 : i32
    %scan3A_39 = arith.addi %scan3A, %scan3A_38 : i32
    %scan3A_40 = arith.constant 1 : i32
    %scan3A_41 = scf.for %scan3A_60 = %scan3A to %scan3A_39 step %scan3A_40 iter_args(%scan3A_61 = %broadcast_in_dim3A_37) -> (vector<16xf32>)  : i32 {
      %shift_right_arithmetic3A = arith.constant 3 : i32
      %shift_right_arithmetic3A_62 = arith.shrsi %scan3A_60, %shift_right_arithmetic3A : i32
      %and3A_63 = arith.constant 7 : i32
      %and3A_64 = arith.andi %scan3A_60, %and3A_63 : i32
      %mul3A_65 = arith.constant 16 : i32
      %mul3A_66 = arith.muli %and3A_64, %mul3A_65 : i32
      %add3A_67 = vector.broadcast %mul3A_66 : i32 to vector<16xi32>
      %add3A_68 = arith.addi %add3A_67, %iota3A : vector<16xi32>
      %broadcast_in_dim3A_69 = vector.broadcast %shift_right_arithmetic3A_62 : i32 to vector<16xi32>
      %gather3A = tpu.vector_load_idx %arg9[%add3A_68, %broadcast_in_dim3A_69] : memref<128x32xf32, #tpu.memory_space<vmem>>[vector<16xi32>, vector<16xi32>], vector<16xf32>,
      %mul3A_70 = arith.constant 16 : i32
      %mul3A_71 = arith.muli %and3A_64, %mul3A_70 : i32
      %get3A = arith.index_cast %shift_right_arithmetic3A_62 : i32 to index
      %get3A_72 = arith.index_cast %mul3A_71 : i32 to index
      %get3A_73 = tpu.vector_load %arg10[%get3A, %get3A_72] {strides = array<i32>} : memref<32x128xf32, #tpu.memory_space<vmem>>, vector<16xf32>,
      %sub3A_74 = arith.subf %gather3A, %get3A_73 : vector<16xf32>
      %add3A_75 = arith.addf %get3A_73, %sub3A_74 : vector<16xf32>
      %mul3A_76 = arith.constant 16 : i32
      %mul3A_77 = arith.muli %and3A_64, %mul3A_76 : i32
      %swap3A_78 = arith.index_cast %shift_right_arithmetic3A_62 : i32 to index
      %swap3A_79 = arith.index_cast %mul3A_77 : i32 to index
      %swap3A_80 = tpu.vector_load %arg11[%swap3A_78, %swap3A_79] {strides = array<i32>} : memref<32x128xf32, #tpu.memory_space<vmem>>, vector<16xf32>,
      tpu.vector_store %arg11[%swap3A_78, %swap3A_79], %add3A_75 {strides = array<i32>} : memref<32x128xf32, #tpu.memory_space<vmem>>, vector<16xf32>,
      %sub3A_81 = arith.subf %get3A_73, %gather3A : vector<16xf32>
      %mul3A_82 = arith.mulf %sub3A_81, %sub3A_81 : vector<16xf32>
      %add3A_83 = arith.addf %scan3A_61, %mul3A_82 : vector<16xf32>
      scf.yield %add3A_83 : vector<16xf32>
    }
    %scan3A_42 = arith.constant 256 : i32
    %swap3A = arith.constant 0 : index
    %swap3A_43 = tpu.vector_load %arg14[%swap3A] {strides = array<i32>} : memref<16xf32, #tpu.memory_space<vmem>>, vector<16xf32>,
    tpu.vector_store %arg14[%swap3A], %scan3A_41 {strides = array<i32>} : memref<16xf32, #tpu.memory_space<vmem>>, vector<16xf32>,
    "tpu.region"() ({
      %run_scoped3A = tpu.sem_alloc : memref<!tpu.dma_semaphore, #tpu.memory_space<semaphore_mem>>
      %dma_start3A_60 = arith.constant 0 : i32
      %dma_start3A_61 = tpu.memref_slice %arg5[%select_n3A, %dma_start3A_60, %select_n3A_32] : memref<4x32x1024xf32, #tpu.memory_space<hbm>> -> memref<1x32x128xf32, #tpu.memory_space<hbm>>
      %dma_start3A_62 = tpu.memref_squeeze %dma_start3A_61 : memref<1x32x128xf32, #tpu.memory_space<hbm>> -> memref<32x128xf32, #tpu.memory_space<hbm>>
      %dma_start3A_63 = arith.constant 0 : i32
      %dma_start3A_64 = tpu.memref_slice %arg5[%select_n3A, %dma_start3A_63, %select_n3A_32] : memref<4x32x1024xf32, #tpu.memory_space<hbm>> -> memref<1x32x128xf32, #tpu.memory_space<hbm>>
      %dma_start3A_65 = tpu.memref_squeeze %dma_start3A_64 : memref<1x32x128xf32, #tpu.memory_space<hbm>> -> memref<32x128xf32, #tpu.memory_space<hbm>>
      tpu.enqueue_dma source(%arg11 : memref<32x128xf32, #tpu.memory_space<vmem>>) target(%dma_start3A_65 : memref<32x128xf32, #tpu.memory_space<hbm>>) target_semaphore(%run_scoped3A : memref<!tpu.dma_semaphore, #tpu.memory_space<semaphore_mem>>)
      %dma_wait3A_66 = arith.constant 0 : i32
      %dma_wait3A_67 = tpu.memref_slice %arg5[%select_n3A, %dma_wait3A_66, %select_n3A_32] : memref<4x32x1024xf32, #tpu.memory_space<hbm>> -> memref<1x32x128xf32, #tpu.memory_space<hbm>>
      %dma_wait3A_68 = tpu.memref_squeeze %dma_wait3A_67 : memref<1x32x128xf32, #tpu.memory_space<hbm>> -> memref<32x128xf32, #tpu.memory_space<hbm>>
      %dma_wait3A_69 = arith.constant 0 : i32
      %dma_wait3A_70 = tpu.memref_slice %arg5[%select_n3A, %dma_wait3A_69, %select_n3A_32] : memref<4x32x1024xf32, #tpu.memory_space<hbm>> -> memref<1x32x128xf32, #tpu.memory_space<hbm>>
      %dma_wait3A_71 = tpu.memref_squeeze %dma_wait3A_70 : memref<1x32x128xf32, #tpu.memory_space<hbm>> -> memref<32x128xf32, #tpu.memory_space<hbm>>
      tpu.wait_dma2 semaphore(%run_scoped3A : memref<!tpu.dma_semaphore, #tpu.memory_space<semaphore_mem>>) src(%arg11 : memref<32x128xf32, #tpu.memory_space<vmem>>) dst(%dma_wait3A_71 : memref<32x128xf32, #tpu.memory_space<hbm>>)
      tpu.yield
    }) : () -> ()
    "tpu.region"() ({
      %run_scoped3A = tpu.sem_alloc : memref<!tpu.dma_semaphore, #tpu.memory_space<semaphore_mem>>
      %dma_start3A_60 = arith.constant 0 : i32
      %dma_start3A_61 = tpu.memref_slice %arg16[%arg1, %dma_start3A_60] : memref<16x16xf32, #tpu.memory_space<vmem_shared>> -> memref<1x16xf32, #tpu.memory_space<vmem_shared>>
      %dma_start3A_62 = tpu.memref_squeeze %dma_start3A_61 : memref<1x16xf32, #tpu.memory_space<vmem_shared>> -> memref<16xf32, #tpu.memory_space<vmem_shared>>
      %dma_start3A_63 = arith.constant 0 : i32
      %dma_start3A_64 = tpu.memref_slice %arg16[%arg1, %dma_start3A_63] : memref<16x16xf32, #tpu.memory_space<vmem_shared>> -> memref<1x16xf32, #tpu.memory_space<vmem_shared>>
      %dma_start3A_65 = tpu.memref_squeeze %dma_start3A_64 : memref<1x16xf32, #tpu.memory_space<vmem_shared>> -> memref<16xf32, #tpu.memory_space<vmem_shared>>
      tpu.enqueue_dma source(%arg14 : memref<16xf32, #tpu.memory_space<vmem>>) target(%dma_start3A_65 : memref<16xf32, #tpu.memory_space<vmem_shared>>) target_semaphore(%run_scoped3A : memref<!tpu.dma_semaphore, #tpu.memory_space<semaphore_mem>>)
      %dma_wait3A_66 = arith.constant 0 : i32
      %dma_wait3A_67 = tpu.memref_slice %arg16[%arg1, %dma_wait3A_66] : memref<16x16xf32, #tpu.memory_space<vmem_shared>> -> memref<1x16xf32, #tpu.memory_space<vmem_shared>>
      %dma_wait3A_68 = tpu.memref_squeeze %dma_wait3A_67 : memref<1x16xf32, #tpu.memory_space<vmem_shared>> -> memref<16xf32, #tpu.memory_space<vmem_shared>>
      %dma_wait3A_69 = arith.constant 0 : i32
      %dma_wait3A_70 = tpu.memref_slice %arg16[%arg1, %dma_wait3A_69] : memref<16x16xf32, #tpu.memory_space<vmem_shared>> -> memref<1x16xf32, #tpu.memory_space<vmem_shared>>
      %dma_wait3A_71 = tpu.memref_squeeze %dma_wait3A_70 : memref<1x16xf32, #tpu.memory_space<vmem_shared>> -> memref<16xf32, #tpu.memory_space<vmem_shared>>
      tpu.wait_dma2 semaphore(%run_scoped3A : memref<!tpu.dma_semaphore, #tpu.memory_space<semaphore_mem>>) src(%arg14 : memref<16xf32, #tpu.memory_space<vmem>>) dst(%dma_wait3A_71 : memref<16xf32, #tpu.memory_space<vmem_shared>>)
      tpu.yield
    }) : () -> ()
    %scan3A_44 = arith.constant 0 : i32
    %scan3A_45 = arith.constant 32 : i32
    %scan3A_46 = arith.addi %scan3A_44, %scan3A_45 : i32
    %scan3A_47 = arith.constant 1 : i32
    scf.for %scan3A_60 = %scan3A_44 to %scan3A_46 step %scan3A_47  : i32 {
      %broadcast_in_dim3A_61 = arith.constant 0.000000e+00 : f32
      %broadcast_in_dim3A_62 = vector.broadcast %broadcast_in_dim3A_61 : f32 to vector<16xf32>
      %mul3A_63 = arith.constant 16 : i32
      %mul3A_64 = arith.muli %scan3A_60, %mul3A_63 : i32
      %swap3A_65 = arith.index_cast %mul3A_64 : i32 to index
      %swap3A_66 = tpu.vector_load %arg13[%swap3A_65] {strides = array<i32>} : memref<512xf32, #tpu.memory_space<vmem>>, vector<16xf32>,
      tpu.vector_store %arg13[%swap3A_65], %broadcast_in_dim3A_62 {strides = array<i32>} : memref<512xf32, #tpu.memory_space<vmem>>, vector<16xf32>,
    }
    %scan3A_48 = arith.constant 32 : i32
    %scan3A_49 = arith.constant 0 : i32
    %scan3A_50 = arith.constant 8 : i32
    %scan3A_51 = arith.addi %scan3A_49, %scan3A_50 : i32
    %scan3A_52 = arith.constant 1 : i32
    scf.for %scan3A_60 = %scan3A_49 to %scan3A_51 step %scan3A_52  : i32 {
      %broadcast_in_dim3A_61 = arith.constant 1.000000e+00 : f32
      %broadcast_in_dim3A_62 = vector.broadcast %broadcast_in_dim3A_61 : f32 to vector<16xf32>
      %mul3A_63 = arith.constant 16 : i32
      %mul3A_64 = arith.muli %scan3A_60, %mul3A_63 : i32
      %swap3A_65 = arith.index_cast %mul3A_64 : i32 to index
      %swap3A_66 = tpu.vector_load %arg12[%swap3A_65] {strides = array<i32>} : memref<128xf32, #tpu.memory_space<vmem>>, vector<16xf32>,
      tpu.vector_store %arg12[%swap3A_65], %broadcast_in_dim3A_62 {strides = array<i32>} : memref<128xf32, #tpu.memory_space<vmem>>, vector<16xf32>,
    }
    %scan3A_53 = arith.constant 8 : i32
    %mul3A_54 = arith.constant 512 : i32
    %mul3A_55 = arith.muli %arg1, %mul3A_54 : i32
    "tpu.region"() ({
      %run_scoped3A = tpu.sem_alloc : memref<!tpu.dma_semaphore, #tpu.memory_space<semaphore_mem>>
      %dma_start3A_60 = tpu.memref_slice %arg15[%mul3A_55] : memref<8192xf32, #tpu.memory_space<vmem_shared>> -> memref<512xf32, #tpu.memory_space<vmem_shared>>
      %dma_start3A_61 = tpu.memref_slice %arg15[%mul3A_55] : memref<8192xf32, #tpu.memory_space<vmem_shared>> -> memref<512xf32, #tpu.memory_space<vmem_shared>>
      tpu.enqueue_dma source(%arg13 : memref<512xf32, #tpu.memory_space<vmem>>) target(%dma_start3A_61 : memref<512xf32, #tpu.memory_space<vmem_shared>>) target_semaphore(%run_scoped3A : memref<!tpu.dma_semaphore, #tpu.memory_space<semaphore_mem>>)
      %dma_wait3A_62 = tpu.memref_slice %arg15[%mul3A_55] : memref<8192xf32, #tpu.memory_space<vmem_shared>> -> memref<512xf32, #tpu.memory_space<vmem_shared>>
      %dma_wait3A_63 = tpu.memref_slice %arg15[%mul3A_55] : memref<8192xf32, #tpu.memory_space<vmem_shared>> -> memref<512xf32, #tpu.memory_space<vmem_shared>>
      tpu.wait_dma2 semaphore(%run_scoped3A : memref<!tpu.dma_semaphore, #tpu.memory_space<semaphore_mem>>) src(%arg13 : memref<512xf32, #tpu.memory_space<vmem>>) dst(%dma_wait3A_63 : memref<512xf32, #tpu.memory_space<vmem_shared>>)
      tpu.yield
    }) : () -> ()
    %barrier3A = arith.constant 0 : index
    tpu.barrier barrier_id(%barrier3A)
    "tpu.region"() ({
      %run_scoped3A = tpu.sem_alloc : memref<!tpu.dma_semaphore, #tpu.memory_space<semaphore_mem>>
      %dma_start3A_60 = arith.constant 0 : i32
      %dma_start3A_61 = tpu.memref_slice %arg15[%dma_start3A_60] : memref<8192xf32, #tpu.memory_space<vmem_shared>> -> memref<8192xf32, #tpu.memory_space<vmem_shared>>
      tpu.enqueue_indirect_dma source(%arg12 : memref<128xf32, #tpu.memory_space<vmem>>) target(%dma_start3A_61 : memref<8192xf32, #tpu.memory_space<vmem_shared>>) offsets(%arg8 : memref<128xi32, #tpu.memory_space<vmem>>) semaphore(%run_scoped3A : memref<!tpu.dma_semaphore, #tpu.memory_space<semaphore_mem>>) {add = true}
      %dma_wait3A_62 = arith.constant 0 : i32
      %dma_wait3A_63 = tpu.memref_slice %arg15[%dma_wait3A_62] : memref<8192xf32, #tpu.memory_space<vmem_shared>> -> memref<8192xf32, #tpu.memory_space<vmem_shared>>
      tpu.wait_indirect_dma semaphore(%run_scoped3A : memref<!tpu.dma_semaphore, #tpu.memory_space<semaphore_mem>>) src(%arg12 : memref<128xf32, #tpu.memory_space<vmem>>) dst(%dma_wait3A_63 : memref<8192xf32, #tpu.memory_space<vmem_shared>>)
      tpu.yield
    }) : () -> ()
    %barrier3A_56 = arith.constant 0 : index
    tpu.barrier barrier_id(%barrier3A_56)
    %eq3A_57 = arith.constant 0 : i32
    %eq3A_58 = arith.cmpi eq, %arg1, %eq3A_57 : i32
    %convert_element_type3A = arith.extui %eq3A_58 : i1 to i32
    %cond3A = arith.constant 0 : i32
    %cond3A_59 = arith.cmpi ne, %convert_element_type3A, %cond3A : i32
    scf.if %cond3A_59 {
      "tpu.region"() ({
        %run_scoped3A = tpu.sem_alloc : memref<!tpu.dma_semaphore, #tpu.memory_space<semaphore_mem>>
        %dma_start3A_60 = arith.constant 0 : i32
        %dma_start3A_61 = tpu.memref_slice %arg6[%arg0, %dma_start3A_60] : memref<2x8192xf32, #tpu.memory_space<hbm>> -> memref<1x8192xf32, #tpu.memory_space<hbm>>
        %dma_start3A_62 = tpu.memref_squeeze %dma_start3A_61 : memref<1x8192xf32, #tpu.memory_space<hbm>> -> memref<8192xf32, #tpu.memory_space<hbm>>
        tpu.enqueue_dma source(%arg15 : memref<8192xf32, #tpu.memory_space<vmem_shared>>) target(%dma_start3A_62 : memref<8192xf32, #tpu.memory_space<hbm>>) target_semaphore(%run_scoped3A : memref<!tpu.dma_semaphore, #tpu.memory_space<semaphore_mem>>)
        %dma_wait3A_63 = arith.constant 0 : i32
        %dma_wait3A_64 = tpu.memref_slice %arg6[%arg0, %dma_wait3A_63] : memref<2x8192xf32, #tpu.memory_space<hbm>> -> memref<1x8192xf32, #tpu.memory_space<hbm>>
        %dma_wait3A_65 = tpu.memref_squeeze %dma_wait3A_64 : memref<1x8192xf32, #tpu.memory_space<hbm>> -> memref<8192xf32, #tpu.memory_space<hbm>>
        tpu.wait_dma2 semaphore(%run_scoped3A : memref<!tpu.dma_semaphore, #tpu.memory_space<semaphore_mem>>) src(%arg15 : memref<8192xf32, #tpu.memory_space<vmem_shared>>) dst(%dma_wait3A_65 : memref<8192xf32, #tpu.memory_space<hbm>>)
        tpu.yield
      }) : () -> ()
      "tpu.region"() ({
        %run_scoped3A = tpu.sem_alloc : memref<!tpu.dma_semaphore, #tpu.memory_space<semaphore_mem>>
        %dma_start3A_60 = arith.constant 0 : i32
        %dma_start3A_61 = arith.constant 0 : i32
        %dma_start3A_62 = tpu.memref_slice %arg7[%arg0, %dma_start3A_60, %dma_start3A_61] : memref<2x16x16xf32, #tpu.memory_space<hbm>> -> memref<1x16x16xf32, #tpu.memory_space<hbm>>
        %dma_start3A_63 = tpu.memref_squeeze %dma_start3A_62 : memref<1x16x16xf32, #tpu.memory_space<hbm>> -> memref<16x16xf32, #tpu.memory_space<hbm>>
        tpu.enqueue_dma source(%arg16 : memref<16x16xf32, #tpu.memory_space<vmem_shared>>) target(%dma_start3A_63 : memref<16x16xf32, #tpu.memory_space<hbm>>) target_semaphore(%run_scoped3A : memref<!tpu.dma_semaphore, #tpu.memory_space<semaphore_mem>>)
        %dma_wait3A_64 = arith.constant 0 : i32
        %dma_wait3A_65 = arith.constant 0 : i32
        %dma_wait3A_66 = tpu.memref_slice %arg7[%arg0, %dma_wait3A_64, %dma_wait3A_65] : memref<2x16x16xf32, #tpu.memory_space<hbm>> -> memref<1x16x16xf32, #tpu.memory_space<hbm>>
        %dma_wait3A_67 = tpu.memref_squeeze %dma_wait3A_66 : memref<1x16x16xf32, #tpu.memory_space<hbm>> -> memref<16x16xf32, #tpu.memory_space<hbm>>
        tpu.wait_dma2 semaphore(%run_scoped3A : memref<!tpu.dma_semaphore, #tpu.memory_space<semaphore_mem>>) src(%arg16 : memref<16x16xf32, #tpu.memory_space<vmem_shared>>) dst(%dma_wait3A_67 : memref<16x16xf32, #tpu.memory_space<hbm>>)
        tpu.yield
      }) : () -> ()
    } else {
    }
    return
  }
}

module attributes {stable_mosaic.version = 14 : i64} {
  func.func @_argmin_body(%arg0: i32, %arg1: memref<1x32x8x32xf32, #tpu.memory_space<vmem>>, %arg2: memref<8192x32xf32, #tpu.memory_space<vmem>>, %arg3: memref<1x1x256xi32, #tpu.memory_space<vmem>>, %arg4: memref<1x32x256xf32, #tpu.memory_space<vmem>>) attributes {dimension_semantics = [#tpu.dimension_semantics<arbitrary>], iteration_bounds = array<i64: 16>, scalar_prefetch = 0 : i64, scratch_operands = 0 : i64, tpu.core_type = #tpu.core_type<tc>, window_params = [{transform_indices = @transform_0, window_bounds = array<i64: 1, 32, 8, 32>}, {pipeline_mode = #tpu.pipeline_mode<synchronous>, transform_indices = @transform_1, window_bounds = array<i64: 8192, 32>}, {transform_indices = @transform_2, window_bounds = array<i64: 1, 1, 256>}, {transform_indices = @transform_3, window_bounds = array<i64: 1, 32, 256>}]} {
    %get3A = arith.constant 0 : index
    %get3A_0 = arith.constant 0 : index
    %get3A_1 = arith.constant 0 : index
    %get3A_2 = arith.constant 0 : index
    %get3A_3 = vector.load %arg1[%get3A, %get3A_0, %get3A_1, %get3A_2] : memref<1x32x8x32xf32, #tpu.memory_space<vmem>>, vector<1x32x8x32xf32>
    %get3A_4 = vector.shape_cast %get3A_3 : vector<1x32x8x32xf32> to vector<32x8x32xf32>
    %reshape3A = vector.shape_cast %get3A_4 : vector<32x8x32xf32> to vector<32x256xf32>
    %reshape3A_5 = vector.shape_cast %reshape3A : vector<32x256xf32> to vector<1x32x256xf32>
    %swap3A = arith.constant 0 : index
    %swap3A_6 = arith.constant 0 : index
    %swap3A_7 = arith.constant 0 : index
    %swap3A_8 = vector.load %arg4[%swap3A, %swap3A_6, %swap3A_7] : memref<1x32x256xf32, #tpu.memory_space<vmem>>, vector<1x32x256xf32>
    tpu.vector_store %arg4[%swap3A, %swap3A_6, %swap3A_7], %reshape3A_5 {strides = array<i32>} : memref<1x32x256xf32, #tpu.memory_space<vmem>>, vector<1x32x256xf32>,
    %get3A_9 = arith.constant 0 : index
    %get3A_10 = arith.constant 0 : index
    %get3A_11 = vector.load %arg2[%get3A_9, %get3A_10] : memref<8192x32xf32, #tpu.memory_space<vmem>>, vector<8192x32xf32>
    %mul3A = arith.mulf %reshape3A, %reshape3A : vector<32x256xf32>
    %reduce_sum3A = arith.constant dense<0.000000e+00> : vector<256xf32>
    %reduce_sum3A_12 = vector.multi_reduction <add>, %mul3A, %reduce_sum3A [0] : vector<32x256xf32> to vector<256xf32>
    %broadcast_in_dim3A = vector.shape_cast %reduce_sum3A_12 : vector<256xf32> to vector<1x256xf32>
    %mul3A_13 = arith.mulf %get3A_11, %get3A_11 : vector<8192x32xf32>
    %reduce_sum3A_14 = arith.constant dense<0.000000e+00> : vector<8192xf32>
    %reduce_sum3A_15 = vector.multi_reduction <add>, %mul3A_13, %reduce_sum3A_14 [1] : vector<8192x32xf32> to vector<8192xf32>
    %broadcast_in_dim3A_16 = vector.shape_cast %reduce_sum3A_15 : vector<8192xf32> to vector<8192x1xf32>
    %add3A = arith.addf %get3A_11, %get3A_11 : vector<8192x32xf32>
    %dot_general3A = arith.constant dense<0.000000e+00> : vector<8192x256xf32>
    %dot_general3A_17 = tpu.matmul %add3A, %reshape3A, %dot_general3A {dimension_numbers = #tpu.dot_dimension_numbers<[1], [0], [0], [1], [0, 0, 1, 1], [], []>, transpose_lhs_hint = false} : vector<8192x32xf32>, vector<32x256xf32>, vector<8192x256xf32> -> vector<8192x256xf32>
    %sub3A = vector.broadcast %broadcast_in_dim3A : vector<1x256xf32> to vector<8192x256xf32>
    %sub3A_18 = arith.subf %sub3A, %dot_general3A_17 : vector<8192x256xf32>
    %add3A_19 = vector.broadcast %broadcast_in_dim3A_16 : vector<8192x1xf32> to vector<8192x256xf32>
    %add3A_20 = arith.addf %sub3A_18, %add3A_19 : vector<8192x256xf32>
    %reshape3A_21 = vector.shape_cast %add3A_20 : vector<8192x256xf32> to vector<512x16x256xf32>
    %slice3A = vector.extract_strided_slice %reshape3A_21 {offsets = [0, 0, 0], sizes = [512, 8, 256], strides = [1, 1, 1]} : vector<512x16x256xf32> to vector<512x8x256xf32>
    %reshape3A_22 = vector.shape_cast %slice3A : vector<512x8x256xf32> to vector<4096x256xf32>
    %slice3A_23 = vector.extract_strided_slice %reshape3A_21 {offsets = [0, 8, 0], sizes = [512, 8, 256], strides = [1, 1, 1]} : vector<512x16x256xf32> to vector<512x8x256xf32>
    %reshape3A_24 = vector.shape_cast %slice3A_23 : vector<512x8x256xf32> to vector<4096x256xf32>
    %lt3A = arith.cmpf olt, %reshape3A_24, %reshape3A_22 : vector<4096x256xf32>
    %jit3A = arith.constant 8 : i32
    %jit3A_25 = arith.constant 0 : i32
    %broadcast_in_dim3A_26 = vector.broadcast %jit3A : i32 to vector<4096x256xi32>
    %broadcast_in_dim3A_27 = vector.broadcast %jit3A_25 : i32 to vector<4096x256xi32>
    %select_n3A = arith.select %lt3A, %broadcast_in_dim3A_26, %broadcast_in_dim3A_27 : vector<4096x256xi1>, vector<4096x256xi32>
    %min3A = arith.minimumf %reshape3A_22, %reshape3A_24 : vector<4096x256xf32>
    %reshape3A_28 = vector.shape_cast %min3A : vector<4096x256xf32> to vector<256x16x256xf32>
    %slice3A_29 = vector.extract_strided_slice %reshape3A_28 {offsets = [0, 0, 0], sizes = [256, 8, 256], strides = [1, 1, 1]} : vector<256x16x256xf32> to vector<256x8x256xf32>
    %reshape3A_30 = vector.shape_cast %slice3A_29 : vector<256x8x256xf32> to vector<2048x256xf32>
    %slice3A_31 = vector.extract_strided_slice %reshape3A_28 {offsets = [0, 8, 0], sizes = [256, 8, 256], strides = [1, 1, 1]} : vector<256x16x256xf32> to vector<256x8x256xf32>
    %reshape3A_32 = vector.shape_cast %slice3A_31 : vector<256x8x256xf32> to vector<2048x256xf32>
    %reshape3A_33 = vector.shape_cast %select_n3A : vector<4096x256xi32> to vector<256x16x256xi32>
    %slice3A_34 = vector.extract_strided_slice %reshape3A_33 {offsets = [0, 0, 0], sizes = [256, 8, 256], strides = [1, 1, 1]} : vector<256x16x256xi32> to vector<256x8x256xi32>
    %reshape3A_35 = vector.shape_cast %slice3A_34 : vector<256x8x256xi32> to vector<2048x256xi32>
    %slice3A_36 = vector.extract_strided_slice %reshape3A_33 {offsets = [0, 8, 0], sizes = [256, 8, 256], strides = [1, 1, 1]} : vector<256x16x256xi32> to vector<256x8x256xi32>
    %reshape3A_37 = vector.shape_cast %slice3A_36 : vector<256x8x256xi32> to vector<2048x256xi32>
    %lt3A_38 = arith.cmpf olt, %reshape3A_32, %reshape3A_30 : vector<2048x256xf32>
    %add3A_39 = arith.constant 16 : i32
    %add3A_40 = vector.broadcast %add3A_39 : i32 to vector<2048x256xi32>
    %add3A_41 = arith.addi %reshape3A_37, %add3A_40 : vector<2048x256xi32>
    %select_n3A_42 = arith.select %lt3A_38, %add3A_41, %reshape3A_35 : vector<2048x256xi1>, vector<2048x256xi32>
    %min3A_43 = arith.minimumf %reshape3A_30, %reshape3A_32 : vector<2048x256xf32>
    %reshape3A_44 = vector.shape_cast %min3A_43 : vector<2048x256xf32> to vector<128x16x256xf32>
    %slice3A_45 = vector.extract_strided_slice %reshape3A_44 {offsets = [0, 0, 0], sizes = [128, 8, 256], strides = [1, 1, 1]} : vector<128x16x256xf32> to vector<128x8x256xf32>
    %reshape3A_46 = vector.shape_cast %slice3A_45 : vector<128x8x256xf32> to vector<1024x256xf32>
    %slice3A_47 = vector.extract_strided_slice %reshape3A_44 {offsets = [0, 8, 0], sizes = [128, 8, 256], strides = [1, 1, 1]} : vector<128x16x256xf32> to vector<128x8x256xf32>
    %reshape3A_48 = vector.shape_cast %slice3A_47 : vector<128x8x256xf32> to vector<1024x256xf32>
    %reshape3A_49 = vector.shape_cast %select_n3A_42 : vector<2048x256xi32> to vector<128x16x256xi32>
    %slice3A_50 = vector.extract_strided_slice %reshape3A_49 {offsets = [0, 0, 0], sizes = [128, 8, 256], strides = [1, 1, 1]} : vector<128x16x256xi32> to vector<128x8x256xi32>
    %reshape3A_51 = vector.shape_cast %slice3A_50 : vector<128x8x256xi32> to vector<1024x256xi32>
    %slice3A_52 = vector.extract_strided_slice %reshape3A_49 {offsets = [0, 8, 0], sizes = [128, 8, 256], strides = [1, 1, 1]} : vector<128x16x256xi32> to vector<128x8x256xi32>
    %reshape3A_53 = vector.shape_cast %slice3A_52 : vector<128x8x256xi32> to vector<1024x256xi32>
    %lt3A_54 = arith.cmpf olt, %reshape3A_48, %reshape3A_46 : vector<1024x256xf32>
    %add3A_55 = arith.constant 32 : i32
    %add3A_56 = vector.broadcast %add3A_55 : i32 to vector<1024x256xi32>
    %add3A_57 = arith.addi %reshape3A_53, %add3A_56 : vector<1024x256xi32>
    %select_n3A_58 = arith.select %lt3A_54, %add3A_57, %reshape3A_51 : vector<1024x256xi1>, vector<1024x256xi32>
    %min3A_59 = arith.minimumf %reshape3A_46, %reshape3A_48 : vector<1024x256xf32>
    %reshape3A_60 = vector.shape_cast %min3A_59 : vector<1024x256xf32> to vector<64x16x256xf32>
    %slice3A_61 = vector.extract_strided_slice %reshape3A_60 {offsets = [0, 0, 0], sizes = [64, 8, 256], strides = [1, 1, 1]} : vector<64x16x256xf32> to vector<64x8x256xf32>
    %reshape3A_62 = vector.shape_cast %slice3A_61 : vector<64x8x256xf32> to vector<512x256xf32>
    %slice3A_63 = vector.extract_strided_slice %reshape3A_60 {offsets = [0, 8, 0], sizes = [64, 8, 256], strides = [1, 1, 1]} : vector<64x16x256xf32> to vector<64x8x256xf32>
    %reshape3A_64 = vector.shape_cast %slice3A_63 : vector<64x8x256xf32> to vector<512x256xf32>
    %reshape3A_65 = vector.shape_cast %select_n3A_58 : vector<1024x256xi32> to vector<64x16x256xi32>
    %slice3A_66 = vector.extract_strided_slice %reshape3A_65 {offsets = [0, 0, 0], sizes = [64, 8, 256], strides = [1, 1, 1]} : vector<64x16x256xi32> to vector<64x8x256xi32>
    %reshape3A_67 = vector.shape_cast %slice3A_66 : vector<64x8x256xi32> to vector<512x256xi32>
    %slice3A_68 = vector.extract_strided_slice %reshape3A_65 {offsets = [0, 8, 0], sizes = [64, 8, 256], strides = [1, 1, 1]} : vector<64x16x256xi32> to vector<64x8x256xi32>
    %reshape3A_69 = vector.shape_cast %slice3A_68 : vector<64x8x256xi32> to vector<512x256xi32>
    %lt3A_70 = arith.cmpf olt, %reshape3A_64, %reshape3A_62 : vector<512x256xf32>
    %add3A_71 = arith.constant 64 : i32
    %add3A_72 = vector.broadcast %add3A_71 : i32 to vector<512x256xi32>
    %add3A_73 = arith.addi %reshape3A_69, %add3A_72 : vector<512x256xi32>
    %select_n3A_74 = arith.select %lt3A_70, %add3A_73, %reshape3A_67 : vector<512x256xi1>, vector<512x256xi32>
    %min3A_75 = arith.minimumf %reshape3A_62, %reshape3A_64 : vector<512x256xf32>
    %reshape3A_76 = vector.shape_cast %min3A_75 : vector<512x256xf32> to vector<32x16x256xf32>
    %slice3A_77 = vector.extract_strided_slice %reshape3A_76 {offsets = [0, 0, 0], sizes = [32, 8, 256], strides = [1, 1, 1]} : vector<32x16x256xf32> to vector<32x8x256xf32>
    %reshape3A_78 = vector.shape_cast %slice3A_77 : vector<32x8x256xf32> to vector<256x256xf32>
    %slice3A_79 = vector.extract_strided_slice %reshape3A_76 {offsets = [0, 8, 0], sizes = [32, 8, 256], strides = [1, 1, 1]} : vector<32x16x256xf32> to vector<32x8x256xf32>
    %reshape3A_80 = vector.shape_cast %slice3A_79 : vector<32x8x256xf32> to vector<256x256xf32>
    %reshape3A_81 = vector.shape_cast %select_n3A_74 : vector<512x256xi32> to vector<32x16x256xi32>
    %slice3A_82 = vector.extract_strided_slice %reshape3A_81 {offsets = [0, 0, 0], sizes = [32, 8, 256], strides = [1, 1, 1]} : vector<32x16x256xi32> to vector<32x8x256xi32>
    %reshape3A_83 = vector.shape_cast %slice3A_82 : vector<32x8x256xi32> to vector<256x256xi32>
    %slice3A_84 = vector.extract_strided_slice %reshape3A_81 {offsets = [0, 8, 0], sizes = [32, 8, 256], strides = [1, 1, 1]} : vector<32x16x256xi32> to vector<32x8x256xi32>
    %reshape3A_85 = vector.shape_cast %slice3A_84 : vector<32x8x256xi32> to vector<256x256xi32>
    %lt3A_86 = arith.cmpf olt, %reshape3A_80, %reshape3A_78 : vector<256x256xf32>
    %add3A_87 = arith.constant 128 : i32
    %add3A_88 = vector.broadcast %add3A_87 : i32 to vector<256x256xi32>
    %add3A_89 = arith.addi %reshape3A_85, %add3A_88 : vector<256x256xi32>
    %select_n3A_90 = arith.select %lt3A_86, %add3A_89, %reshape3A_83 : vector<256x256xi1>, vector<256x256xi32>
    %min3A_91 = arith.minimumf %reshape3A_78, %reshape3A_80 : vector<256x256xf32>
    %reshape3A_92 = vector.shape_cast %min3A_91 : vector<256x256xf32> to vector<16x16x256xf32>
    %slice3A_93 = vector.extract_strided_slice %reshape3A_92 {offsets = [0, 0, 0], sizes = [16, 8, 256], strides = [1, 1, 1]} : vector<16x16x256xf32> to vector<16x8x256xf32>
    %reshape3A_94 = vector.shape_cast %slice3A_93 : vector<16x8x256xf32> to vector<128x256xf32>
    %slice3A_95 = vector.extract_strided_slice %reshape3A_92 {offsets = [0, 8, 0], sizes = [16, 8, 256], strides = [1, 1, 1]} : vector<16x16x256xf32> to vector<16x8x256xf32>
    %reshape3A_96 = vector.shape_cast %slice3A_95 : vector<16x8x256xf32> to vector<128x256xf32>
    %reshape3A_97 = vector.shape_cast %select_n3A_90 : vector<256x256xi32> to vector<16x16x256xi32>
    %slice3A_98 = vector.extract_strided_slice %reshape3A_97 {offsets = [0, 0, 0], sizes = [16, 8, 256], strides = [1, 1, 1]} : vector<16x16x256xi32> to vector<16x8x256xi32>
    %reshape3A_99 = vector.shape_cast %slice3A_98 : vector<16x8x256xi32> to vector<128x256xi32>
    %slice3A_100 = vector.extract_strided_slice %reshape3A_97 {offsets = [0, 8, 0], sizes = [16, 8, 256], strides = [1, 1, 1]} : vector<16x16x256xi32> to vector<16x8x256xi32>
    %reshape3A_101 = vector.shape_cast %slice3A_100 : vector<16x8x256xi32> to vector<128x256xi32>
    %lt3A_102 = arith.cmpf olt, %reshape3A_96, %reshape3A_94 : vector<128x256xf32>
    %add3A_103 = arith.constant 256 : i32
    %add3A_104 = vector.broadcast %add3A_103 : i32 to vector<128x256xi32>
    %add3A_105 = arith.addi %reshape3A_101, %add3A_104 : vector<128x256xi32>
    %select_n3A_106 = arith.select %lt3A_102, %add3A_105, %reshape3A_99 : vector<128x256xi1>, vector<128x256xi32>
    %min3A_107 = arith.minimumf %reshape3A_94, %reshape3A_96 : vector<128x256xf32>
    %reshape3A_108 = vector.shape_cast %min3A_107 : vector<128x256xf32> to vector<8x16x256xf32>
    %slice3A_109 = vector.extract_strided_slice %reshape3A_108 {offsets = [0, 0, 0], sizes = [8, 8, 256], strides = [1, 1, 1]} : vector<8x16x256xf32> to vector<8x8x256xf32>
    %reshape3A_110 = vector.shape_cast %slice3A_109 : vector<8x8x256xf32> to vector<64x256xf32>
    %slice3A_111 = vector.extract_strided_slice %reshape3A_108 {offsets = [0, 8, 0], sizes = [8, 8, 256], strides = [1, 1, 1]} : vector<8x16x256xf32> to vector<8x8x256xf32>
    %reshape3A_112 = vector.shape_cast %slice3A_111 : vector<8x8x256xf32> to vector<64x256xf32>
    %reshape3A_113 = vector.shape_cast %select_n3A_106 : vector<128x256xi32> to vector<8x16x256xi32>
    %slice3A_114 = vector.extract_strided_slice %reshape3A_113 {offsets = [0, 0, 0], sizes = [8, 8, 256], strides = [1, 1, 1]} : vector<8x16x256xi32> to vector<8x8x256xi32>
    %reshape3A_115 = vector.shape_cast %slice3A_114 : vector<8x8x256xi32> to vector<64x256xi32>
    %slice3A_116 = vector.extract_strided_slice %reshape3A_113 {offsets = [0, 8, 0], sizes = [8, 8, 256], strides = [1, 1, 1]} : vector<8x16x256xi32> to vector<8x8x256xi32>
    %reshape3A_117 = vector.shape_cast %slice3A_116 : vector<8x8x256xi32> to vector<64x256xi32>
    %lt3A_118 = arith.cmpf olt, %reshape3A_112, %reshape3A_110 : vector<64x256xf32>
    %add3A_119 = arith.constant 512 : i32
    %add3A_120 = vector.broadcast %add3A_119 : i32 to vector<64x256xi32>
    %add3A_121 = arith.addi %reshape3A_117, %add3A_120 : vector<64x256xi32>
    %select_n3A_122 = arith.select %lt3A_118, %add3A_121, %reshape3A_115 : vector<64x256xi1>, vector<64x256xi32>
    %min3A_123 = arith.minimumf %reshape3A_110, %reshape3A_112 : vector<64x256xf32>
    %reshape3A_124 = vector.shape_cast %min3A_123 : vector<64x256xf32> to vector<4x16x256xf32>
    %slice3A_125 = vector.extract_strided_slice %reshape3A_124 {offsets = [0, 0, 0], sizes = [4, 8, 256], strides = [1, 1, 1]} : vector<4x16x256xf32> to vector<4x8x256xf32>
    %reshape3A_126 = vector.shape_cast %slice3A_125 : vector<4x8x256xf32> to vector<32x256xf32>
    %slice3A_127 = vector.extract_strided_slice %reshape3A_124 {offsets = [0, 8, 0], sizes = [4, 8, 256], strides = [1, 1, 1]} : vector<4x16x256xf32> to vector<4x8x256xf32>
    %reshape3A_128 = vector.shape_cast %slice3A_127 : vector<4x8x256xf32> to vector<32x256xf32>
    %reshape3A_129 = vector.shape_cast %select_n3A_122 : vector<64x256xi32> to vector<4x16x256xi32>
    %slice3A_130 = vector.extract_strided_slice %reshape3A_129 {offsets = [0, 0, 0], sizes = [4, 8, 256], strides = [1, 1, 1]} : vector<4x16x256xi32> to vector<4x8x256xi32>
    %reshape3A_131 = vector.shape_cast %slice3A_130 : vector<4x8x256xi32> to vector<32x256xi32>
    %slice3A_132 = vector.extract_strided_slice %reshape3A_129 {offsets = [0, 8, 0], sizes = [4, 8, 256], strides = [1, 1, 1]} : vector<4x16x256xi32> to vector<4x8x256xi32>
    %reshape3A_133 = vector.shape_cast %slice3A_132 : vector<4x8x256xi32> to vector<32x256xi32>
    %lt3A_134 = arith.cmpf olt, %reshape3A_128, %reshape3A_126 : vector<32x256xf32>
    %add3A_135 = arith.constant 1024 : i32
    %add3A_136 = vector.broadcast %add3A_135 : i32 to vector<32x256xi32>
    %add3A_137 = arith.addi %reshape3A_133, %add3A_136 : vector<32x256xi32>
    %select_n3A_138 = arith.select %lt3A_134, %add3A_137, %reshape3A_131 : vector<32x256xi1>, vector<32x256xi32>
    %min3A_139 = arith.minimumf %reshape3A_126, %reshape3A_128 : vector<32x256xf32>
    %reshape3A_140 = vector.shape_cast %min3A_139 : vector<32x256xf32> to vector<2x16x256xf32>
    %slice3A_141 = vector.extract_strided_slice %reshape3A_140 {offsets = [0, 0, 0], sizes = [2, 8, 256], strides = [1, 1, 1]} : vector<2x16x256xf32> to vector<2x8x256xf32>
    %reshape3A_142 = vector.shape_cast %slice3A_141 : vector<2x8x256xf32> to vector<16x256xf32>
    %slice3A_143 = vector.extract_strided_slice %reshape3A_140 {offsets = [0, 8, 0], sizes = [2, 8, 256], strides = [1, 1, 1]} : vector<2x16x256xf32> to vector<2x8x256xf32>
    %reshape3A_144 = vector.shape_cast %slice3A_143 : vector<2x8x256xf32> to vector<16x256xf32>
    %reshape3A_145 = vector.shape_cast %select_n3A_138 : vector<32x256xi32> to vector<2x16x256xi32>
    %slice3A_146 = vector.extract_strided_slice %reshape3A_145 {offsets = [0, 0, 0], sizes = [2, 8, 256], strides = [1, 1, 1]} : vector<2x16x256xi32> to vector<2x8x256xi32>
    %reshape3A_147 = vector.shape_cast %slice3A_146 : vector<2x8x256xi32> to vector<16x256xi32>
    %slice3A_148 = vector.extract_strided_slice %reshape3A_145 {offsets = [0, 8, 0], sizes = [2, 8, 256], strides = [1, 1, 1]} : vector<2x16x256xi32> to vector<2x8x256xi32>
    %reshape3A_149 = vector.shape_cast %slice3A_148 : vector<2x8x256xi32> to vector<16x256xi32>
    %lt3A_150 = arith.cmpf olt, %reshape3A_144, %reshape3A_142 : vector<16x256xf32>
    %add3A_151 = arith.constant 2048 : i32
    %add3A_152 = vector.broadcast %add3A_151 : i32 to vector<16x256xi32>
    %add3A_153 = arith.addi %reshape3A_149, %add3A_152 : vector<16x256xi32>
    %select_n3A_154 = arith.select %lt3A_150, %add3A_153, %reshape3A_147 : vector<16x256xi1>, vector<16x256xi32>
    %min3A_155 = arith.minimumf %reshape3A_142, %reshape3A_144 : vector<16x256xf32>
    %reshape3A_156 = vector.shape_cast %min3A_155 : vector<16x256xf32> to vector<1x16x256xf32>
    %slice3A_157 = vector.extract_strided_slice %reshape3A_156 {offsets = [0, 0, 0], sizes = [1, 8, 256], strides = [1, 1, 1]} : vector<1x16x256xf32> to vector<1x8x256xf32>
    %reshape3A_158 = vector.shape_cast %slice3A_157 : vector<1x8x256xf32> to vector<8x256xf32>
    %slice3A_159 = vector.extract_strided_slice %reshape3A_156 {offsets = [0, 8, 0], sizes = [1, 8, 256], strides = [1, 1, 1]} : vector<1x16x256xf32> to vector<1x8x256xf32>
    %reshape3A_160 = vector.shape_cast %slice3A_159 : vector<1x8x256xf32> to vector<8x256xf32>
    %reshape3A_161 = vector.shape_cast %select_n3A_154 : vector<16x256xi32> to vector<1x16x256xi32>
    %slice3A_162 = vector.extract_strided_slice %reshape3A_161 {offsets = [0, 0, 0], sizes = [1, 8, 256], strides = [1, 1, 1]} : vector<1x16x256xi32> to vector<1x8x256xi32>
    %reshape3A_163 = vector.shape_cast %slice3A_162 : vector<1x8x256xi32> to vector<8x256xi32>
    %slice3A_164 = vector.extract_strided_slice %reshape3A_161 {offsets = [0, 8, 0], sizes = [1, 8, 256], strides = [1, 1, 1]} : vector<1x16x256xi32> to vector<1x8x256xi32>
    %reshape3A_165 = vector.shape_cast %slice3A_164 : vector<1x8x256xi32> to vector<8x256xi32>
    %lt3A_166 = arith.cmpf olt, %reshape3A_160, %reshape3A_158 : vector<8x256xf32>
    %add3A_167 = arith.constant 4096 : i32
    %add3A_168 = vector.broadcast %add3A_167 : i32 to vector<8x256xi32>
    %add3A_169 = arith.addi %reshape3A_165, %add3A_168 : vector<8x256xi32>
    %select_n3A_170 = arith.select %lt3A_166, %add3A_169, %reshape3A_163 : vector<8x256xi1>, vector<8x256xi32>
    %min3A_171 = arith.minimumf %reshape3A_158, %reshape3A_160 : vector<8x256xf32>
    %reduce_min3A = arith.constant dense<0x7F800000> : vector<256xf32>
    %reduce_min3A_172 = vector.multi_reduction <minimumf>, %min3A_171, %reduce_min3A [0] : vector<8x256xf32> to vector<256xf32>
    %broadcast_in_dim3A_173 = vector.shape_cast %reduce_min3A_172 : vector<256xf32> to vector<1x256xf32>
    %iota3A = tpu.iota {dimensions = array<i32: 0>} : vector<8x256xi32>
    %eq3A = vector.broadcast %broadcast_in_dim3A_173 : vector<1x256xf32> to vector<8x256xf32>
    %eq3A_174 = arith.cmpf oeq, %min3A_171, %eq3A : vector<8x256xf32>
    %add3A_175 = arith.addi %select_n3A_170, %iota3A : vector<8x256xi32>
    %jit3A_176 = arith.constant 1073741824 : i32
    %broadcast_in_dim3A_177 = vector.broadcast %jit3A_176 : i32 to vector<8x256xi32>
    %select_n3A_178 = arith.select %eq3A_174, %add3A_175, %broadcast_in_dim3A_177 : vector<8x256xi1>, vector<8x256xi32>
    %reduce_min3A_179 = arith.constant dense<2147483647> : vector<256xi32>
    %reduce_min3A_180 = vector.multi_reduction <minsi>, %select_n3A_178, %reduce_min3A_179 [0] : vector<8x256xi32> to vector<256xi32>
    %reshape3A_181 = vector.shape_cast %reduce_min3A_180 : vector<256xi32> to vector<1x1x256xi32>
    %swap3A_182 = arith.constant 0 : index
    %swap3A_183 = arith.constant 0 : index
    %swap3A_184 = arith.constant 0 : index
    %swap3A_185 = vector.load %arg3[%swap3A_182, %swap3A_183, %swap3A_184] : memref<1x1x256xi32, #tpu.memory_space<vmem>>, vector<1x1x256xi32>
    tpu.vector_store %arg3[%swap3A_182, %swap3A_183, %swap3A_184], %reshape3A_181 {strides = array<i32>} : memref<1x1x256xi32, #tpu.memory_space<vmem>>, vector<1x1x256xi32>,
    return
  }
  func.func @transform_0(%arg0: i32) -> (i32, i32, i32, i32) {
    %jit3A = arith.constant 4 : i32
    %div3A = arith.divsi %arg0, %jit3A : i32
    %sign3A = arith.constant 0 : i32
    %sign3A_0 = arith.cmpi sgt, %arg0, %sign3A : i32
    %sign3A_1 = arith.extui %sign3A_0 : i1 to i32
    %sign3A_2 = arith.constant 0 : i32
    %sign3A_3 = arith.cmpi slt, %arg0, %sign3A_2 : i32
    %sign3A_4 = arith.extui %sign3A_3 : i1 to i32
    %sign3A_5 = arith.subi %sign3A_1, %sign3A_4 : i32
    %sign3A_6 = arith.constant 0 : i32
    %sign3A_7 = arith.cmpi sgt, %jit3A, %sign3A_6 : i32
    %sign3A_8 = arith.extui %sign3A_7 : i1 to i32
    %sign3A_9 = arith.constant 0 : i32
    %sign3A_10 = arith.cmpi slt, %jit3A, %sign3A_9 : i32
    %sign3A_11 = arith.extui %sign3A_10 : i1 to i32
    %sign3A_12 = arith.subi %sign3A_8, %sign3A_11 : i32
    %ne3A = arith.cmpi ne, %sign3A_5, %sign3A_12 : i32
    %rem3A = arith.remsi %arg0, %jit3A : i32
    %ne3A_13 = arith.constant 0 : i32
    %ne3A_14 = arith.cmpi ne, %rem3A, %ne3A_13 : i32
    %and3A = arith.andi %ne3A, %ne3A_14 : i1
    %sub3A = arith.constant 1 : i32
    %sub3A_15 = arith.subi %div3A, %sub3A : i32
    %select_n3A = arith.select %and3A, %sub3A_15, %div3A : i32
    %jit3A_16 = arith.constant 4 : i32
    %eq3A = arith.constant 0 : i32
    %eq3A_17 = arith.cmpi eq, %jit3A_16, %eq3A : i32
    %jit3A_18 = arith.constant 1 : i32
    %select_n3A_19 = arith.select %eq3A_17, %jit3A_18, %jit3A_16 : i32
    %rem3A_20 = arith.remsi %arg0, %select_n3A_19 : i32
    %ne3A_21 = arith.constant 0 : i32
    %ne3A_22 = arith.cmpi ne, %rem3A_20, %ne3A_21 : i32
    %lt3A = arith.constant 0 : i32
    %lt3A_23 = arith.cmpi slt, %rem3A_20, %lt3A : i32
    %lt3A_24 = arith.constant 0 : i32
    %lt3A_25 = arith.cmpi slt, %select_n3A_19, %lt3A_24 : i32
    %ne3A_26 = arith.xori %lt3A_23, %lt3A_25 : i1
    %and3A_27 = arith.andi %ne3A_26, %ne3A_22 : i1
    %add3A = arith.addi %rem3A_20, %select_n3A_19 : i32
    %select_n3A_28 = arith.select %and3A_27, %add3A, %rem3A_20 : i32
    %c0_i32 = arith.constant 0 : i32
    %c0_i32_29 = arith.constant 0 : i32
    %c0_i32_30 = arith.constant 0 : i32
    return %select_n3A, %c0_i32, %select_n3A_28, %c0_i32_29 : i32, i32, i32, i32
  }
  func.func @transform_1(%arg0: i32) -> (i32, i32) {
    %c0_i32 = arith.constant 0 : i32
    %c0_i32_0 = arith.constant 0 : i32
    %c0_i32_1 = arith.constant 0 : i32
    return %c0_i32, %c0_i32_0 : i32, i32
  }
  func.func @transform_2(%arg0: i32) -> (i32, i32, i32) {
    %c0_i32 = arith.constant 0 : i32
    %c0_i32_0 = arith.constant 0 : i32
    %c0_i32_1 = arith.constant 0 : i32
    return %arg0, %c0_i32, %c0_i32_0 : i32, i32, i32
  }
  func.func @transform_3(%arg0: i32) -> (i32, i32, i32) {
    %jit3A = arith.constant 4 : i32
    %div3A = arith.divsi %arg0, %jit3A : i32
    %sign3A = arith.constant 0 : i32
    %sign3A_0 = arith.cmpi sgt, %arg0, %sign3A : i32
    %sign3A_1 = arith.extui %sign3A_0 : i1 to i32
    %sign3A_2 = arith.constant 0 : i32
    %sign3A_3 = arith.cmpi slt, %arg0, %sign3A_2 : i32
    %sign3A_4 = arith.extui %sign3A_3 : i1 to i32
    %sign3A_5 = arith.subi %sign3A_1, %sign3A_4 : i32
    %sign3A_6 = arith.constant 0 : i32
    %sign3A_7 = arith.cmpi sgt, %jit3A, %sign3A_6 : i32
    %sign3A_8 = arith.extui %sign3A_7 : i1 to i32
    %sign3A_9 = arith.constant 0 : i32
    %sign3A_10 = arith.cmpi slt, %jit3A, %sign3A_9 : i32
    %sign3A_11 = arith.extui %sign3A_10 : i1 to i32
    %sign3A_12 = arith.subi %sign3A_8, %sign3A_11 : i32
    %ne3A = arith.cmpi ne, %sign3A_5, %sign3A_12 : i32
    %rem3A = arith.remsi %arg0, %jit3A : i32
    %ne3A_13 = arith.constant 0 : i32
    %ne3A_14 = arith.cmpi ne, %rem3A, %ne3A_13 : i32
    %and3A = arith.andi %ne3A, %ne3A_14 : i1
    %sub3A = arith.constant 1 : i32
    %sub3A_15 = arith.subi %div3A, %sub3A : i32
    %select_n3A = arith.select %and3A, %sub3A_15, %div3A : i32
    %jit3A_16 = arith.constant 4 : i32
    %eq3A = arith.constant 0 : i32
    %eq3A_17 = arith.cmpi eq, %jit3A_16, %eq3A : i32
    %jit3A_18 = arith.constant 1 : i32
    %select_n3A_19 = arith.select %eq3A_17, %jit3A_18, %jit3A_16 : i32
    %rem3A_20 = arith.remsi %arg0, %select_n3A_19 : i32
    %ne3A_21 = arith.constant 0 : i32
    %ne3A_22 = arith.cmpi ne, %rem3A_20, %ne3A_21 : i32
    %lt3A = arith.constant 0 : i32
    %lt3A_23 = arith.cmpi slt, %rem3A_20, %lt3A : i32
    %lt3A_24 = arith.constant 0 : i32
    %lt3A_25 = arith.cmpi slt, %select_n3A_19, %lt3A_24 : i32
    %ne3A_26 = arith.xori %lt3A_23, %lt3A_25 : i1
    %and3A_27 = arith.andi %ne3A_26, %ne3A_22 : i1
    %add3A = arith.addi %rem3A_20, %select_n3A_19 : i32
    %select_n3A_28 = arith.select %and3A_27, %add3A, %rem3A_20 : i32
    %c0_i32 = arith.constant 0 : i32
    %c0_i32_29 = arith.constant 0 : i32
    return %select_n3A, %c0_i32, %select_n3A_28 : i32, i32, i32
  }
}

module attributes {stable_mosaic.version = 14 : i64} {
  func.func @_fin_body(%arg0: memref<2x8192xf32, #tpu.memory_space<vmem>>, %arg1: memref<32x16xf32, #tpu.memory_space<vmem>>, %arg2: memref<1x1xf32, #tpu.memory_space<vmem>>, %arg3: memref<1x1xf32, #tpu.memory_space<vmem>>) attributes {dimension_semantics = [], scalar_prefetch = 0 : i64, scratch_operands = 0 : i64, tpu.core_type = #tpu.core_type<tc>} {
    %get3A = arith.constant 0 : index
    %get3A_0 = arith.constant 0 : index
    %get3A_1 = vector.load %arg1[%get3A, %get3A_0] : memref<32x16xf32, #tpu.memory_space<vmem>>, vector<32x16xf32>
    %reduce_sum3A = vector.shape_cast %get3A_1 : vector<32x16xf32> to vector<1x32x16xf32>
    %reduce_sum3A_2 = arith.constant dense<0.000000e+00> : vector<1xf32>
    %reduce_sum3A_3 = vector.multi_reduction <add>, %reduce_sum3A, %reduce_sum3A_2 [1, 2] : vector<1x32x16xf32> to vector<1xf32>
    %reduce_sum3A_4 = vector.shape_cast %reduce_sum3A_3 : vector<1xf32> to vector<1x1x1xf32>
    %reduce_sum3A_5 = vector.extract %reduce_sum3A_4[0, 0, 0] : f32 from vector<1x1x1xf32>
    %mul3A = arith.constant 7.62939453E-6 : f32
    %mul3A_6 = arith.mulf %reduce_sum3A_5, %mul3A : f32
    %mul3A_7 = arith.constant 2.500000e-01 : f32
    %mul3A_8 = arith.mulf %mul3A_7, %mul3A_6 : f32
    %add3A = arith.addf %mul3A_8, %mul3A_6 : f32
    %reshape3A = vector.broadcast %add3A : f32 to vector<1x1xf32>
    %swap3A = arith.constant 0 : index
    %swap3A_9 = arith.constant 0 : index
    %swap3A_10 = vector.load %arg2[%swap3A, %swap3A_9] : memref<1x1xf32, #tpu.memory_space<vmem>>, vector<1x1xf32>
    tpu.vector_store %arg2[%swap3A, %swap3A_9], %reshape3A {strides = array<i32>} : memref<1x1xf32, #tpu.memory_space<vmem>>, vector<1x1xf32>,
    %get3A_11 = arith.constant 0 : index
    %get3A_12 = arith.constant 0 : index
    %get3A_13 = vector.load %arg0[%get3A_11, %get3A_12] : memref<2x8192xf32, #tpu.memory_space<vmem>>, vector<1x8192xf32>
    %get3A_14 = arith.constant 1 : index
    %get3A_15 = arith.constant 0 : index
    %get3A_16 = vector.load %arg0[%get3A_14, %get3A_15] : memref<2x8192xf32, #tpu.memory_space<vmem>>, vector<1x8192xf32>
    %add3A_17 = arith.addf %get3A_13, %get3A_16 : vector<1x8192xf32>
    %mul3A_18 = arith.constant 2.44140625E-4 : f32
    %mul3A_19 = vector.broadcast %mul3A_18 : f32 to vector<1x8192xf32>
    %mul3A_20 = arith.mulf %add3A_17, %mul3A_19 : vector<1x8192xf32>
    %add3A_21 = arith.constant 1.000000e-10 : f32
    %add3A_22 = vector.broadcast %add3A_21 : f32 to vector<1x8192xf32>
    %add3A_23 = arith.addf %mul3A_20, %add3A_22 : vector<1x8192xf32>
    %log3A = math.log %add3A_23 : vector<1x8192xf32>
    %mul3A_24 = arith.mulf %mul3A_20, %log3A : vector<1x8192xf32>
    %reduce_sum3A_25 = vector.shape_cast %mul3A_24 : vector<1x8192xf32> to vector<1x1x8192xf32>
    %reduce_sum3A_26 = arith.constant dense<0.000000e+00> : vector<1xf32>
    %reduce_sum3A_27 = vector.multi_reduction <add>, %reduce_sum3A_25, %reduce_sum3A_26 [1, 2] : vector<1x1x8192xf32> to vector<1xf32>
    %reduce_sum3A_28 = vector.shape_cast %reduce_sum3A_27 : vector<1xf32> to vector<1x1x1xf32>
    %reduce_sum3A_29 = vector.extract %reduce_sum3A_28[0, 0, 0] : f32 from vector<1x1x1xf32>
    %neg3A = arith.constant 0.000000e+00 : f32
    %neg3A_30 = arith.subf %neg3A, %reduce_sum3A_29 : f32
    %exp3A = math.exp %neg3A_30 : f32
    %reshape3A_31 = vector.broadcast %exp3A : f32 to vector<1x1xf32>
    %swap3A_32 = arith.constant 0 : index
    %swap3A_33 = arith.constant 0 : index
    %swap3A_34 = vector.load %arg3[%swap3A_32, %swap3A_33] : memref<1x1xf32, #tpu.memory_space<vmem>>, vector<1x1xf32>
    tpu.vector_store %arg3[%swap3A_32, %swap3A_33], %reshape3A_31 {strides = array<i32>} : memref<1x1xf32, #tpu.memory_space<vmem>>, vector<1x1xf32>,
    return
  }
}

</mosaic_0001>

<sc_bundles>
// kernel: kernel.5.cloned.1.call-start
scs
__scs_entry_jumppad:
0x0: {  	(pc) =	sbr.rel $0x88, $3  }
0x1: {  	(tag) =	ssettag $0x0;
	lr =	simm.s32 $0x1  }
0x2: {  	[smem:$0x3F9F] =	sst lr;
	_ =	strace $0xD0000000  }
0x3: {  	_ = 	snop  }
0x4: {  	_ = 	snop  }
0x5: {  	_ = 	snop  }
0x6: {  	_ = 	snop  }
0x7: {  	_ = 	snop  }
__scs_overlays_trampoline_lowered:
0x8: {  	[smem:$0x3FAE] =	sst s0  }
0x9: {  	[smem:$0x3FAF] =	sst s1  }
0xa: {  	[smem:$0x3FB0] =	sst s2  }
0xb: {  	[smem:$0x3FB1] =	sst s3  }
0xc: {  	[smem:$0x3FB2] =	sst s4  }
0xd: {  	[smem:$0x3FB3] =	sst s5  }
0xe: {  	[smem:$0x3FB4] =	sst s6  }
0xf: {  	[smem:$0x3FB5] =	sst s7  }
0x10: {  	[smem:$0x3FB6] =	sst s8  }
0x11: {  	[smem:$0x3FB7] =	sst s9;
	s0 =	simm.s32 @!p0 $0x0  }
0x12: {  	s1 =	sld [smem:$0x3F9D];
	s0 =	simm.s32 @p0 $0x1  }
0x13: {  	[smem:$0x3FB8] =	sst s0;
	s0 =	simm.s32 @!p1 $0x0  }
0x14: {  	s2 =	sld [smem:$0x3F9C];
	s0 =	simm.s32 @p1 $0x1  }
0x15: {  	[smem:$0x3FB9] =	sst s0;
	s0 =	simm.s32 @!p2 $0x0  }
0x16: {  	s3 =	sld [smem:$0x3FDB];
	s0 =	simm.s32 @p2 $0x1  }
0x17: {  	s4 =	simm.s32 $0x1BF5;
	[smem:$0x3FBB] =	sst s0  }
0x18: {  	s0 =	sld [smem:$0x3F9E];
	_ =	swait.ge [sflag:s4], $0x0  }
0x19: {  	s7 =	sld [smem:$0x3F9F]  }
0x1a: {  	s8 =	sadd.s32 $0xFFFFE003, lr  }
0x1b: {  	s9 =	sadd.s32 $0xFFFFFEF7, lr;
	s5 =	simm.s32 $0xFFFFFFFF;
	p2 =	slt.u32 s8, $0xFFFFF086  }
0x1c: {  	p1 =	slt.u32 s9, $0xF7A;
	s5 =	simm.s32 @!p2 $0x0  }
0x1d: {  	s5 =	simm.s32 @p1 $0x1;
	p0 =	seq.s32 s7, s2  }
0x1e: {  	s7 =	smul.u32 @!p0 $0xF7A, s2;
	p2 =	seq.s32 @!p0 s5, $0x0  }
0x1f: {  	s9 =	smul.u32 $0xF7A, s1;
	s8 =	simm.s32 @!p0 $0x1BF5;
	p2 =	por !p2, p0  }
0x20: {  	[sflag:s8] =	ssyncset.s32 @!p0 $0xFFFFF086;
	s6 =	sadd.s32 @!p0 s3, s7;
	s7 =	simm.s32 @!p0 $0x108  }
0x21: {  	s3 =	sadd.s32 s3, s9;
	s6 =	sadd.s32 @!p0 $0x88, s6;
	s7 =	simm.s32 @p2 $0x1082  }
0x22: {  	[simem:s7], [sflag:s8] =	dma.local @!p0 [hbm:s6], $0xF7A  }
0x23: {  	s9 =	sor.u32 $0xD0000000, s2;
	s6 =	simm.s32 $0x108;
	_ =	swait.ge @!p0 [sflag:s8], $0x0  }
0x24: {  	s3 =	sadd.s32 $0x88, s3;
	s6 =	simm.s32 @!p1 $0x1082;
	[sflag:s4] =	ssyncset.s32 $0xFFFFF086  }
0x25: {  	[simem:s6], [sflag:s4] =	dma.local [hbm:s3], $0xF7A  }
0x26: {  	[smem:$0x3F9F] =	sst s1;
	(tag) =	ssettag s2;
	_ =	strace s9  }
0x27: {  	s1 =	sld [smem:$0x3FAF]  }
0x28: {  	s2 =	sld [smem:$0x3FB0]  }
0x29: {  	s4 =	sld [smem:$0x3FB2]  }
0x2a: {  	p0 =	seq.s32 s5, $0x0;
	s5 =	sld [smem:$0x3FB3]  }
0x2b: {  	s6 =	sld [smem:$0x3FB4]  }
0x2c: {  	s7 =	sld [smem:$0x3FB5]  }
0x2d: {  	s3 =	simm.s32 $0x108;
	s8 =	sld [smem:$0x3FB6]  }
0x2e: {  	s3 =	simm.s32 @!p0 $0x1082;
	s9 =	sld [smem:$0x3FB7]  }
0x2f: {  	lr =	sadd.s32 s0, s3;
	s0 =	sld [smem:$0x3FAE]  }
0x30: {  	s3 =	sld [smem:$0x3FB1]  }
0x31: {  	[smem:$0x3FBA] =	sst s10  }
0x32: {  	s10 =	sld [smem:$0x3FB8];
	_ =	sdelay $0x3  }
0x33: {  	p0 =	seq.s32 s10, $0x1;
	s10 =	sld [smem:$0x3FBA];
	_ =	sdelay $0x3  }
0x34: {  	[smem:$0x3FBA] =	sst s10  }
0x35: {  	s10 =	sld [smem:$0x3FB9];
	_ =	sdelay $0x3  }
0x36: {  	p1 =	seq.s32 s10, $0x1;
	s10 =	sld [smem:$0x3FBA];
	_ =	sdelay $0x3  }
0x37: {  	[smem:$0x3FBA] =	sst s10  }
0x38: {  	s10 =	sld [smem:$0x3FBB]  }
0x39: {  	_ = 	snop;
	(pc) =	sbr.ind lr, $3  }
0x3a: {  	_ = 	snop  }
0x3b: {  	_ = 	snop  }
0x3c: {  	p2 =	seq.s32 s10, $0x1;
	s10 =	sld [smem:$0x3FBA]  }
0x3d: {  	_ =	shalt  }
0x3e: {  	_ =	shalt  }
0x3f: {  	_ =	shalt  }
0x40: {  	_ =	shalt  }
0x41: {  	_ =	shalt  }
0x42: {  	_ =	shalt  }
0x43: {  	_ =	shalt  }
0x44: {  	_ =	shalt  }
0x45: {  	_ =	shalt  }
0x46: {  	_ =	shalt  }
0x47: {  	_ =	shalt  }
0x48: {  	_ =	shalt  }
0x49: {  	_ =	shalt  }
0x4a: {  	_ =	shalt  }
0x4b: {  	_ =	shalt  }
0x4c: {  	_ =	shalt  }
0x4d: {  	_ =	shalt  }
0x4e: {  	_ =	shalt  }
0x4f: {  	_ =	shalt  }
0x50: {  	_ =	shalt  }
0x51: {  	_ =	shalt  }
0x52: {  	_ =	shalt  }
0x53: {  	_ =	shalt  }
0x54: {  	_ =	shalt  }
0x55: {  	_ =	shalt  }
0x56: {  	_ =	shalt  }
0x57: {  	_ =	shalt  }
0x58: {  	_ =	shalt  }
0x59: {  	_ =	shalt  }
0x5a: {  	_ =	shalt  }
0x5b: {  	_ =	shalt  }
0x5c: {  	_ =	shalt  }
0x5d: {  	_ =	shalt  }
0x5e: {  	_ =	shalt  }
0x5f: {  	_ =	shalt  }
0x60: {  	_ =	shalt  }
0x61: {  	_ =	shalt  }
0x62: {  	_ =	shalt  }
0x63: {  	_ =	shalt  }
0x64: {  	_ =	shalt  }
0x65: {  	_ =	shalt  }
0x66: {  	_ =	shalt  }
0x67: {  	_ =	shalt  }
0x68: {  	_ =	shalt  }
0x69: {  	_ =	shalt  }
0x6a: {  	_ =	shalt  }
0x6b: {  	_ =	shalt  }
0x6c: {  	_ =	shalt  }
0x6d: {  	_ =	shalt  }
0x6e: {  	_ =	shalt  }
0x6f: {  	_ =	shalt  }
0x70: {  	_ =	shalt  }
0x71: {  	_ =	shalt  }
0x72: {  	_ =	shalt  }
0x73: {  	_ =	shalt  }
0x74: {  	_ =	shalt  }
0x75: {  	_ =	shalt  }
0x76: {  	_ =	shalt  }
0x77: {  	_ =	shalt  }
0x78: {  	_ =	shalt  }
0x79: {  	_ =	shalt  }
0x7a: {  	_ =	shalt  }
0x7b: {  	_ =	shalt  }
0x7c: {  	_ =	shalt  }
0x7d: {  	_ =	shalt  }
0x7e: {  	_ =	shalt  }
0x7f: {  	_ =	shalt  }
0x80: {  	_ =	shalt  }
0x81: {  	_ =	shalt  }
0x82: {  	_ =	shalt  }
0x83: {  	_ =	shalt  }
0x84: {  	_ =	shalt  }
0x85: {  	_ =	shalt  }
0x86: {  	_ =	shalt  }
0x87: {  	_ =	shalt  }
.Lfunc_end0:
.L_simem_size_0:
called_computation_lowered:
.L_overlay_start_0:
0x88: {  	s2 =	sld [smem:$0x3FD9]  }
0x89: {  	s3 =	sld [smem:$0x3FFE];
	_ =	sdelay $0x1  }
0x8a: {  	s1 =	srdreg.scid  }
0x8b: {  	s0 =	sand.u32 $0x1, s1  }
0x8c: {  	s14 =	sshll.u32 s0, $0xA;
	s2 =	sadd.s32 s3, s2  }
0x8d: {  	s2 =	sadd.s32 s2, s14  }
0x8e: {  	[smem:$0x3FC6] =	sst s2  }
0x8f: {  	_ = 	snop  }
0x90: {  	s2 =	sld [smem:$0x3FD0];
	_ =	sdelay $0x2  }
0x91: {  	s15 =	simm.s32 $0xA;
	s4 =	simm.s32 $0x10  }
0x92: {  	[smem:s4], [sflag:s15] =	dma.local [hbm:s2], $0x1  }
0x93: {  	_ =	swait.eq [sflag:s15], $0x1  }
0x94: {  	[sflag:s15] =	ssyncset.done $0x0  }
0x95: {  	[sflag:s15] =	ssyncadd.s32 $0xFFFFFFFF  }
0x96: {  	s16 =	sld [smem:$0x10];
	(tm) =	ssettm $0x1  }
0x97: {  	s17 =	sld [smem:$0x3FFB];
	_ =	sdelay $0x3  }
0x98: {  	_ =	strace s17  }
0x99: {  	s3 =	sld [smem:$0x3FFC];
	_ =	sdelay $0x3  }
0x9a: {  	_ =	strace s3  }
0x9b: {  	s3 =	sld [smem:$0x3FFD];
	_ =	sdelay $0x3  }
0x9c: {  	_ =	strace s3  }
0x9d: {  	_ =	strace $0x8FFFFFFF  }
0x9e: {  	s18 =	sld [smem:$0x3FDB];
	_ =	sdelay $0x1  }
0x9f: {  	s19 =	simm.s32 $_scs_section_size  }
0xa0: {  	s5 =	simm.s32 $_size__tile_overlayer_lowered;
	s6 =	simm.s32 $_tile_overlayer_lowered  }
0xa1: {  	s22 =	simm.s32 $0x1BFF;
	s21 =	sshll.u32 s6, $0x1;
	s3 =	sadd.s32 s19, s18  }
0xa2: {  	s7 =	simm.s32 $0x0;
	s20 =	sshll.u32 s5, $0x1;
	s5 =	sadd.s32 s21, s3  }
0xa3: {  	[timem:s7], [sflag:s22] =	dma.local [hbm:s5], s20  }
0xa4: {  	_ =	swait.ge [sflag:s22], s20  }
0xa5: {  	s4 =	ssub.s32 $0x0, s20;
	[sflag:s22] =	ssyncset.done $0x0  }
0xa6: {  	[sflag:s22] =	ssyncadd.s32 s4;
	_ =	sdelay $0x1  }
0xa7: {  	s23 =	simm.s32 $0x1B8B  }
0xa8: {  	_ =	swait.ge [sflag:s23], $0x1  }
0xa9: {  	[sflag:s23] =	ssyncset.done $0x0  }
0xaa: {  	s25 =	simm.s32 $0x1B8E;
	s24 =	sld [smem:$0x3FFE];
	[sflag:s23] =	ssyncadd.s32 $0xFFFFFFFF  }
0xab: {  	s26 =	simm.s32 $execute0_lowered;
	[smem:$0x3FD2] =	sst s25  }
0xac: {  	s5 =	sshll.u32 s26, $0x1;
	_ =	strace $0x80000046;
	[dreg:$0x1] =	wrdreg $0xFFFFFFFF  }
0xad: {  	s28 =	simm.s32 $_size_execute0_lowered;
	s3 =	sadd.s32 s3, s5;
	[dreg:$0x0] =	wrdreg $0x0  }
0xae: {  	s5 =	sshll.u32 s28, $0x1;
	[dreg:$0x2] =	wrdreg s3  }
0xaf: {  	[dreg:$0x3] =	wrdreg s5  }
0xb0: {  	[dreg:$0x4] =	wrdreg $0xC0  }
0xb1: {  	_ =	task [dreg:s7], $0x5FFFF  }
0xb2: {  	[dreg:$0x1] =	wrdreg $0xFFFFFFFF  }
0xb3: {  	[dreg:$0x0] =	wrdreg $0x60  }
0xb4: {  	[dreg:$0x2] =	wrdreg s16  }
0xb5: {  	[dreg:$0x3] =	wrdreg s24  }
0xb6: {  	[dreg:$0x4] =	wrdreg $0x35100  }
0xb7: {  	[dreg:$0x5] =	wrdreg $0x33100  }
0xb8: {  	[dreg:$0x6] =	wrdreg $0x9  }
0xb9: {  	_ =	task.clear_ibuf [dreg:s7], $0x7FFFF;
	_ =	strace $0x90000046  }
0xba: {  	s29 =	simm.s32 $0x9;
	_ =	strace $0x80000048  }
0xbb: {  	_ =	swait.ge [sflag:s29], $0x1  }
0xbc: {  	[sflag:s29] =	ssyncadd.s32 $0xFFFFFFFF  }
0xbd: {  	_ =	strace $0x90000048  }
0xbe: {  	_ =	sfence  }
0xbf: {  	s30 =	sld [smem:$0x0];
	_ =	sdelay $0x2  }
0xc0: {  	s31 =	sshll.u32 s1, $0xD;
	s1 =	sshrl.u32 s1, $0x2  }
0xc1: {  	s3 =	sand.u32 $0x4000, s31;
	s1 =	sadd.s32 s1, s30  }
0xc2: {  	s0 =	sor.u32 s3, s0;
	s1 =	sshll.u32 s1, $0x11  }
0xc3: {  	s0 =	sor.u32 s1, s0  }
0xc4: {  	s0 =	sadd.s32 $0x8F2B, s0  }
0xc5: {  	[sflag:s0] =	ssyncadd.remote.s32 $0x1  }
0xc6: {  	_ =	sfence.sel $0xFFFF  }
0xc7: {  	[dreg:$0x0] =	wrdreg $0xFFFFFFFF;
	(pc) =	sbr.abs _section_cstart, $3  }
0xc8: {  	[dreg:$0x1] =	wrdreg $0xFFFFFFFF  }
0xc9: {  	_ =	task.clear_ibuf [dreg:s7], $0x2FFFF;
	_ =	strace $0x9FFFFFFF  }
0xca: {  	(tm) =	ssettm $0x7FFFFFFF  }
0xcb: {  	_ =	shalt  }
tec
execute0_lowered:
.L_overlay_start_1:
0x0: {  	(tag) =	ssettag $0x1  }
0x1: {  	s0 =	rddreg [dreg:$0x0];
	s1 =	srdreg.scid  }
0x2: {  	s5 =	rddreg [dreg:$0x1];
	s18 =	stileid.u32  }
0x3: {  	s3 =	rddreg [dreg:$0x3];
	s14 =	simm.s32 $0x80;
	s15 =	simm.s32 $0x1  }
0x4: {  	s16 =	simm.s32 $0x400;
	s17 =	simm.s32 $0x1080;
	s19 =	simm.s32 $0x3300  }
0x5: {  	s20 =	simm.s32 $0x3100;
	s21 =	simm.s32 $0x3080;
	s22 =	simm.s32 $0x0  }
0x6: {  	s6 =	sand.u32 $0x1, s1;
	s1 =	rddreg [dreg:$0x2];
	s2 =	sshll.u32 s18, $0x8  }
0x7: {  	s8 =	sshll.u32 s18, $0xD;
	s30 =	sshll.u32 s18, $0x4;
	s31 =	sshll.u32 s18, $0x9  }
0x8: {  	p0 =	sne.s32 s18, $0x0;
	s18 =	simm.s32 $0x2080;
	s4 =	sshll.u32 s6, $0x7  }
0x9: {  	s9 =	ssub.s32 $0x2, s6;
	s10 =	sshll.u32 s6, $0xA;
	s6 =	sshll.u32 s6, $0x5  }
0xa: {  	s7 =	sor.u32 s4, s2;
	s2 =	rddreg [dreg:$0x4];
	s4 =	simm.s32 $0x0  }
0xb: {  	s11 =	sshrl.u32 s9, $0x1;
	s10 =	sadd.s32 s10, s5;
	s12 =	sadd.s32 s6, s5  }
0xc: {  	s8 =	sor.u32 s8, s7;
	[smem:$0x7FF] =	sst s4;
	s7 =	sshrl.u32 s7, $0x3  }
0xd: {  	s13 =	ssub.s32 s9, s11;
	s9 =	sadd.s32 s31, s3;
	s10 =	sadd.s32 $0x5000, s10  }
0xe: {  	s11 =	sadd.s32 $0x5800, s12;
	s8 =	sand.u32 $0x18380, s8;
	_ =	strace $0x80000047  }
0xf: {  	s7 =	sadd.s32 s7, s5;
	s12 =	smax.u32 s13, $0x1;
	s8 =	sshrl.u32 s8, $0x3  }
0x10: {  	v0 =	vlaneseq.u32;
	s13 =	simm.s32 $0x2;
	s8 =	sadd.s32 s8, s5;
	s5 =	sadd.s32 $0xE00, s7  }
0x11: {  	v1 =	vimm.f32 $0.0e+00;
	v2 =	vimm.f32 $1.000000000e+00;
	v0 =	vmul.u32 $0x20, v0;
	s6 =	sadd.s32 $0x1000, s8;
	s7 =	sadd.s32 $0x5A00, s8;
	s8 =	sadd.s32 s30, s1  }
.LBB2_1:
0x12: {  	[tilespmem:s4], [sflag:$0x2] =	stream.linear.gather [hbm4b:s5+s4], $0x80, $0x38;
	[tilespmem:$0x3520] =	vst v63  }
0x13: {  	_ =	swait.ge [sflag:s13], $0x80  }
0x14: {  	s23 =	simm.s32 $0x0;
	[sflag:s13] =	ssyncset.done $0x0  }
0x15: {  	s24 =	sand.u32 $0x70, s4;
	v3 =	vmov s23;
	[sflag:s13] =	ssyncadd.s32 $0xFFFFFF80  }
0x16: {  	v4 =	vmov s24;
	v3 =	vand.u32 $0x1F, v3;
	[tilespmem:s14], [sflag:$0x1] =	stream.indirect.gather [hbm4b:s0+s14], $0x20, s4, s14, $0xb8;
	[tilespmem:$0x3520] =	vst v63  }
0x17: {  	v4 =	vshll.u32 v4, $0x5;
	v3 =	vbroadcast v3, $0x0;
	_ =	swait.ge [sflag:s15], $0x1000  }
0x18: {  	v4 =	vor.u32 v0, v4;
	[sflag:s15] =	ssyncset.done $0x0  }
0x19: {  	v3 =	vor.u32 v3, v4;
	[sflag:s15] =	ssyncadd.s32 $0xFFFFF000  }
0x1a: {  	[tilespmem:s17], [sflag:$0x2] =	stream.strided.gather [hbm4b:s6+s14], $0x1000, s16, s14, $0x38;
	[tilespmem:$0x3520] =	vst v63  }
0x1b: {  	_ =	swait.ge [sflag:s13], $0x1000  }
0x1c: {  	[sflag:s13] =	ssyncset.done $0x0  }
0x1d: {  	s31 =	simm.s32 $0x0;
	[sflag:s13] =	ssyncadd.s32 $0xFFFFF000  }
0x1e: {  	s23 =	sor.u32 s24, s31;
	v4 =	vld.idx.msk [tilespmem:v3+s14+$0x0], $0xffff  }
0x1f: {  	s25 =	simm.s32 $0x2;
	s26 =	simm.s32 $0x10;
	s24 =	simm.s32 $0x0;
	v5 =	vld [tilespmem:s23+$0x1080];
	v3 =	vimm.f32 $0.0e+00  }
.LBB2_2:
0x20: {  	p1 =	sne.s32 s25, $0xFF;
	s28 =	sand.u32 $0x70, s26;
	v6 =	vmov s24  }
0x21: {  	v7 =	vmov s28;
	v6 =	vand.u32 $0x1F, v6  }
0x22: {  	v7 =	vshll.u32 v7, $0x5;
	v6 =	vbroadcast v6, $0x0  }
0x23: {  	v7 =	vor.u32 v0, v7  }
0x24: {  	v6 =	vor.u32 v6, v7;
	v7 =	vsub.f32 v4, v5;
	v4 =	vsub.f32 v5, v4;
	_ =	sdelay $0x1  }
.Ltmp0:
0x25: {  	v5 =	vadd.f32 v7, v5;
	v4 =	vmul.f32 v4, v4;
	(pc) =	sbr.rel @p1 .LBB2_2-.Ltmp0, $4  }
0x26: {  	_ = 	snop  }
0x27: {  	s24 =	sshll.u32 s24, $0x7;
	[tilespmem:s23+$0x2080] =	vst v5;
	v3 =	vadd.f32 v4, v3  }
0x28: {  	s23 =	sor.u32 s28, s24;
	v4 =	vld.idx.msk [tilespmem:v6+s14+$0x0], $0xffff  }
0x29: {  	s26 =	sadd.s32 $0x10, s26;
	s24 =	sshrl.u32 s25, $0x3;
	s25 =	sadd.s32 $0x1, s25;
	v5 =	vld [tilespmem:s23+$0x1080]  }
0x2a: {  	s25 =	sand.u32 $0x70, s26;
	v6 =	vmov s24  }
0x2b: {  	v7 =	vmov s25;
	v6 =	vand.u32 $0x1F, v6  }
0x2c: {  	v7 =	vshll.u32 v7, $0x5;
	v6 =	vbroadcast v6, $0x0  }
0x2d: {  	v7 =	vor.u32 v0, v7  }
0x2e: {  	v6 =	vor.u32 v6, v7;
	v59 =	vsub.f32 v4, v5;
	_ =	sdelay $0x1  }
0x2f: {  	v7 =	vadd.f32 v59, v5;
	_ =	sdelay $0x1  }
0x30: {  	s30 =	sshll.u32 s24, $0x7;
	[tilespmem:s23+$0x2080] =	vst v7  }
0x31: {  	s31 =	sor.u32 s25, s30;
	v6 =	vld.idx.msk [tilespmem:v6+s14+$0x0], $0xffff  }
0x32: {  	v7 =	vld [tilespmem:s31+$0x1080];
	_ =	sdelay $0x2  }
0x33: {  	v60 =	vsub.f32 v5, v4;
	_ =	sdelay $0x1  }
0x34: {  	v4 =	vmul.f32 v60, v60;
	v61 =	vsub.f32 v7, v6  }
0x35: {  	v6 =	vsub.f32 v6, v7  }
0x36: {  	v3 =	vadd.f32 v4, v3;
	v62 =	vmul.f32 v61, v61  }
0x37: {  	v63 =	vadd.f32 v6, v7  }
0x38: {  	v3 =	vadd.f32 v62, v3  }
0x39: {  	[tilespmem:s31+$0x2080] =	vst v63  }
0x3a: {  	[tilespmem:$0x3300] =	vst v3  }
0x3b: {  	[hbm4b:s7+s14] =	stream.strided.scatter [tilespmem:s18], [sflag:$0x2], $0x1000, s16, s14, $0x38;
	[tilespmem:$0x3520] =	vst v63  }
0x3c: {  	_ =	swait.ge [sflag:s13], $0x1000  }
0x3d: {  	[sflag:s13] =	ssyncset.done $0x0  }
0x3e: {  	[sflag:s13] =	ssyncadd.s32 $0xFFFFF000  }
0x3f: {  	[spmem:s8] =	stream.linear.scatter [tilespmem:s19], [sflag:$0x2], $0x10, $0x38;
	[tilespmem:$0x3520] =	vst v63  }
0x40: {  	_ =	swait.ge [sflag:s13], $0x10  }
0x41: {  	[sflag:s13] =	ssyncset.done $0x0  }
0x42: {  	[sflag:s13] =	ssyncadd.s32 $0xFFFFFFF0  }
0x43: {  	[tilespmem:$0x3100] =	vst v1  }
0x44: {  	[tilespmem:$0x3110] =	vst v1  }
0x45: {  	[tilespmem:$0x3120] =	vst v1  }
0x46: {  	[tilespmem:$0x3130] =	vst v1  }
0x47: {  	[tilespmem:$0x3140] =	vst v1  }
0x48: {  	[tilespmem:$0x3150] =	vst v1  }
0x49: {  	[tilespmem:$0x3160] =	vst v1  }
0x4a: {  	[tilespmem:$0x3170] =	vst v1  }
0x4b: {  	[tilespmem:$0x3180] =	vst v1  }
0x4c: {  	[tilespmem:$0x3190] =	vst v1  }
0x4d: {  	[tilespmem:$0x31A0] =	vst v1  }
0x4e: {  	[tilespmem:$0x31B0] =	vst v1  }
0x4f: {  	[tilespmem:$0x31C0] =	vst v1  }
0x50: {  	[tilespmem:$0x31D0] =	vst v1  }
0x51: {  	[tilespmem:$0x31E0] =	vst v1  }
0x52: {  	[tilespmem:$0x31F0] =	vst v1  }
0x53: {  	[tilespmem:$0x3200] =	vst v1  }
0x54: {  	[tilespmem:$0x3210] =	vst v1  }
0x55: {  	[tilespmem:$0x3220] =	vst v1  }
0x56: {  	[tilespmem:$0x3230] =	vst v1  }
0x57: {  	[tilespmem:$0x3240] =	vst v1  }
0x58: {  	[tilespmem:$0x3250] =	vst v1  }
0x59: {  	[tilespmem:$0x3260] =	vst v1  }
0x5a: {  	[tilespmem:$0x3270] =	vst v1  }
0x5b: {  	[tilespmem:$0x3280] =	vst v1  }
0x5c: {  	[tilespmem:$0x3290] =	vst v1  }
0x5d: {  	[tilespmem:$0x32A0] =	vst v1  }
0x5e: {  	[tilespmem:$0x32B0] =	vst v1  }
0x5f: {  	[tilespmem:$0x32C0] =	vst v1  }
0x60: {  	[tilespmem:$0x32D0] =	vst v1  }
0x61: {  	[tilespmem:$0x32E0] =	vst v1  }
0x62: {  	[tilespmem:$0x32F0] =	vst v1  }
0x63: {  	[tilespmem:$0x3080] =	vst v2  }
0x64: {  	[tilespmem:$0x3090] =	vst v2  }
0x65: {  	[tilespmem:$0x30A0] =	vst v2  }
0x66: {  	[tilespmem:$0x30B0] =	vst v2  }
0x67: {  	[tilespmem:$0x30C0] =	vst v2  }
0x68: {  	[tilespmem:$0x30D0] =	vst v2  }
0x69: {  	[tilespmem:$0x30E0] =	vst v2  }
0x6a: {  	[tilespmem:$0x30F0] =	vst v2  }
0x6b: {  	[spmem:s9] =	stream.linear.scatter [tilespmem:s20], [sflag:$0x2], $0x200, $0x38;
	[tilespmem:$0x3520] =	vst v63  }
0x6c: {  	_ =	swait.ge [sflag:s13], $0x200  }
0x6d: {  	[sflag:s13] =	ssyncset.done $0x0  }
0x6e: {  	[sflag:s13] =	ssyncadd.s32 $0xFFFFFE00  }
0x6f: {  	[bflag:$0x0] =	sbarrier.arrive $0xFFFF  }
0x70: {  	[spmem:s3] =	stream.indirect.scatter.add.f32 [tilespmem:s21], [sflag:$0x2], $0x1, s4, s14, $0xb8;
	[tilespmem:$0x3520] =	vst v63  }
0x71: {  	_ =	swait.ge [sflag:s13], $0x80  }
0x72: {  	[sflag:s13] =	ssyncset.done $0x0  }
0x73: {  	[sflag:s13] =	ssyncadd.s32 $0xFFFFFF80  }
0x74: {  	s24 =	simm.s32 @!p0 $0x1C02;
	s23 =	sshrl.u32 @!p0 s3, $0x3;
	[bflag:$0x0] =	sbarrier.arrive $0xFFFF  }
0x75: {  	[hbm:s10], [sflag:s24] =	dma.local @!p0 [spmem:s23], $0x400  }
0x76: {  	s23 =	simm.s32 @!p0 $0x2  }
0x77: {  	s22 =	sadd.s32 $0x1, s22;
	_ =	swait.ge @!p0 [sflag:s23], $0x400  }
0x78: {  	p1 =	sne.s32 s22, s12;
	[sflag:s23] =	ssyncset.done @!p0 $0x0  }
.Ltmp1:
0x79: {  	s25 =	sshrl.u32 @!p0 s1, $0x3;
	[sflag:s23] =	ssyncadd.s32 @!p0 $0xFFFFFC00;
	(pc) =	sbr.rel @p1 .LBB2_1-.Ltmp1, $4  }
0x7a: {  	[hbm:s11], [sflag:s24] =	dma.local @!p0 [spmem:s25], $0x20  }
0x7b: {  	_ =	swait.ge @!p0 [sflag:s23], $0x20  }
0x7c: {  	[sflag:s23] =	ssyncset.done @!p0 $0x0  }
0x7d: {  	[sflag:s23] =	ssyncadd.s32 @!p0 $0xFFFFFFE0  }
0x7e: {  	_ =	sfence.sel $0x180000  }
0x7f: {  	[bflag:$0x0] =	sbarrier.arrive $0xFFFF  }
0x80: {  	_ =	strace $0x90000047  }
0x81: {  	s0 =	sadd.s32 @!p0 $0x100000, s2;
	[bflag:$0x2] =	sbarrier.arrive $0xFFFF  }
0x82: {  	[sflag:s0] =	ssyncadd.tile.s32 @!p0 $0x1;
	_ =	shalt  }
.Lfunc_end2:
_tile_overlayer_lowered:
.L_overlay_start_2:
0x83: {  	(tag) =	ssettag $0x2  }
0x84: {  	s0 =	rddreg [dreg:$0x0];
	s2 =	stileid.u32  }
0x85: {  	s1 =	rddreg [dreg:$0x1];
	p0 =	sne.s32 s2, $0x0  }
0x86: {  	s3 =	rddreg [dreg:$0x2];
	[bflag:$0x3] =	sbarrier.arrive $0xFFFF;
	s2 =	simm.s32 @!p0 $0x1C02  }
0x87: {  	[timem:s3], [sflag:s2] =	dma.local @!p0 [hbm:s0], s1  }
0x88: {  	s0 =	simm.s32 @!p0 $0x2  }
0x89: {  	_ =	swait.ge @!p0 [sflag:s0], s1  }
0x8a: {  	s1 =	ssub.s32 @!p0 $0x0, s1;
	[sflag:s0] =	ssyncset.done @!p0 $0x0  }
0x8b: {  	[sflag:s0] =	ssyncadd.s32 @!p0 s1  }
0x8c: {  	[bflag:$0x3] =	sbarrier.arrive $0xFFFF  }
0x8d: {  	_ =	shalt  }

</sc_bundles>
